<compile_context>
chip_gen: v7x
topology: tpu7x:2x2x1
jax: 0.10.2.dev20260603
libtpu: 0.0.44.dev20260713+nightly
codegen_flags: <defaults>
</compile_context>

<pallas_src>
import functools

import jax
import jax.numpy as jnp
from jax import lax
from jax.experimental import pallas as pl
from jax.experimental.pallas import tpu as pltpu
from jax.experimental.pallas import tpu_sc as plsc

_NC = 2
_NS = 16
_NW = _NC * _NS

_D_NODE = 48
_D_OUT = 48
_D_PAD = 64
_D_ROW = 128
_INV_SQRT_FAN = 1.0 / (48.0 ** 0.5)

_E_TILE = 2048


def _edge_body(a_ref, x_ref, sh_ref, w1_ref, b1_ref, w2p_ref, s_ref, tp_ref):
    et = a_ref.shape[1]
    h = jax.lax.dot_general(a_ref[...].astype(jnp.bfloat16), w1_ref[...],
                            (((0,), (0,)), ((), ())),
                            preferred_element_type=jnp.float32)
    h = jnp.maximum(h + b1_ref[...], 0.0)
    sc = jnp.transpose(sh_ref[...]) * _INV_SQRT_FAN
    hp = jnp.concatenate([h * sc, sc], axis=1).astype(jnp.bfloat16)
    xr = x_ref[...][:, :_D_PAD]
    lane64 = jax.lax.broadcasted_iota(jnp.int32, xr.shape, 1)
    xp = jnp.where(lane64 < _D_NODE, xr, 0.0).astype(jnp.bfloat16)
    xt4 = jnp.tile(xp, (1, 4))
    acc = jnp.zeros((et, _D_ROW), jnp.float32)
    nchunks = w2p_ref.shape[1] // 256
    for j in range(nchunks):
        wr_j = jnp.dot(hp, w2p_ref[:, j * 256:(j + 1) * 256],
                       preferred_element_type=jnp.float32).astype(jnp.bfloat16)
        acc = acc + jnp.dot(wr_j * xt4, s_ref[j * 256:(j + 1) * 256, :],
                            preferred_element_type=jnp.float32)
    lane = jax.lax.broadcasted_iota(jnp.int32, acc.shape, 1)
    tp_ref[...] = jnp.where(lane == _D_NODE, 1.0, acc)


def _edge_compute(edge_attr, x, edge_sh, W1, b1, W2P, S64, interpret=False):
    E, d_edge = edge_attr.shape
    kw = _D_OUT * _D_PAD
    grid = (E // _E_TILE,)
    return pl.pallas_call(
        _edge_body,
        grid=grid,
        in_specs=[
            pl.BlockSpec((d_edge, _E_TILE), lambda i: (0, i)),
            pl.BlockSpec((_E_TILE, 128), lambda i: (i, 0)),
            pl.BlockSpec((1, _E_TILE), lambda i: (0, i)),
            pl.BlockSpec((d_edge, d_edge), lambda i: (0, 0)),
            pl.BlockSpec((1, d_edge), lambda i: (0, 0)),
            pl.BlockSpec((d_edge + 1, kw), lambda i: (0, 0)),
            pl.BlockSpec((kw, _D_ROW), lambda i: (0, 0)),
        ],
        out_specs=pl.BlockSpec((_E_TILE, _D_ROW), lambda i: (i, 0)),
        out_shape=jax.ShapeDtypeStruct((E, _D_ROW), jnp.float32),
        interpret=interpret,
    )(edge_attr.T, x, edge_sh.reshape(1, E),
      W1.astype(jnp.bfloat16), b1.reshape(1, -1), W2P, S64)


def _prep_weights(W2, b2):
    d_hid = W2.shape[0]
    w2t = W2.reshape(d_hid, _D_NODE, _D_OUT).transpose(0, 2, 1)
    b2t = b2.reshape(_D_NODE, _D_OUT).T[None]
    w2p = jnp.concatenate([w2t, b2t], axis=0)
    w2p = jnp.pad(w2p, ((0, 0), (0, 0), (0, _D_PAD - _D_NODE)))
    W2P = w2p.reshape(d_hid + 1, _D_OUT * _D_PAD).astype(jnp.bfloat16)
    j = jnp.arange(_D_OUT * _D_PAD)
    S64 = ((j[:, None] // _D_PAD == jnp.arange(_D_ROW)[None, :])
           & (j[:, None] % _D_PAD < _D_NODE)).astype(jnp.bfloat16)
    return W2P, S64


def _sc_gather(node128, dst3):
    n, d = node128.shape
    nw, nchunk, cw = dst3.shape
    epw = nchunk * cw
    nbuf = 6
    mesh = plsc.VectorSubcoreMesh(core_axis_name="c", subcore_axis_name="s")

    @functools.partial(
        pl.kernel, mesh=mesh,
        out_type=jax.ShapeDtypeStruct((nw * epw, d), jnp.float32),
        scratch_types=[
            pltpu.VMEM((nchunk, cw), jnp.int32),
            pltpu.VMEM((nbuf * cw, d), jnp.float32),
            pltpu.SemaphoreType.DMA,
            pltpu.SemaphoreType.DMA,
        ],
    )
    def g(node_hbm, idx_hbm, x_hbm, idx_v, rows_v, gsem, wsem):
        wid = lax.axis_index("c") * _NS + lax.axis_index("s")
        base = wid * epw
        pltpu.sync_copy(idx_hbm.at[wid], idx_v)
        gs = {}
        for j in range(nbuf):
            gs[j] = pltpu.async_copy(node_hbm.at[idx_v.at[j]],
                                     rows_v.at[pl.ds(j * cw, cw)], gsem)
        ws = {}
        for j in range(nchunk):
            b = j % nbuf
            gs[j].wait()
            ws[j] = pltpu.async_copy(rows_v.at[pl.ds(b * cw, cw)],
                                     x_hbm.at[pl.ds(base + j * cw, cw)], wsem)
            nj = j + nbuf
            if nj < nchunk:
                ws[j].wait()
                gs[nj] = pltpu.async_copy(node_hbm.at[idx_v.at[nj]],
                                          rows_v.at[pl.ds(b * cw, cw)], gsem)
        for j in range(nchunk - nbuf, nchunk):
            ws[j].wait()

    return g(node128, dst3)


def _sc_scatter(tp64, src3, zinit):
    e, d = tp64.shape
    nw, nchunk, cw = src3.shape
    epw = nchunk * cw
    n = zinit.shape[0]
    rps = n // _NS
    qrows = 2 * cw
    nq = epw // qrows
    mesh = plsc.VectorSubcoreMesh(core_axis_name="c", subcore_axis_name="s")

    @functools.partial(
        pl.kernel, mesh=mesh,
        out_type=jax.ShapeDtypeStruct((_NC, n, d), jnp.float32),
        scratch_types=[
            pltpu.VMEM((nchunk, cw), jnp.int32),
            pltpu.VMEM((2, qrows, d), jnp.float32),
            pltpu.VMEM_SHARED((n, d), jnp.float32),
            pltpu.SemaphoreType.DMA,
        ],
    )
    def k(tp_hbm, idx_hbm, z_hbm, out_hbm, idx_v, rows_v, acc_sh, lsem):
        c = lax.axis_index("c")
        s = lax.axis_index("s")
        wid = c * _NS + s
        base = wid * epw
        lds = {0: pltpu.async_copy(tp_hbm.at[pl.ds(base, qrows)],
                                   rows_v.at[0], lsem)}
        pltpu.sync_copy(idx_hbm.at[wid], idx_v)
        pltpu.sync_copy(z_hbm.at[pl.ds(s * rps, rps)],
                        acc_sh.at[pl.ds(s * rps, rps)])
        plsc.subcore_barrier()
        for q in range(nq):
            lds[q].wait()
            if q + 1 < nq:
                lds[q + 1] = pltpu.async_copy(
                    tp_hbm.at[pl.ds(base + (q + 1) * qrows, qrows)],
                    rows_v.at[(q + 1) % 2], lsem)
            for jj in range(2):
                pltpu.sync_copy(rows_v.at[q % 2].at[pl.ds(jj * cw, cw)],
                                acc_sh.at[idx_v.at[2 * q + jj]], add=True)
        plsc.subcore_barrier()
        pltpu.sync_copy(acc_sh.at[pl.ds(s * rps, rps)],
                        out_hbm.at[c].at[pl.ds(s * rps, rps)])

    return k(tp64, src3, zinit)


def _combine_body(p_ref, na_ref, o_ref):
    ps = p_ref[0] + p_ref[1]
    cnt = jnp.maximum(ps[:, _D_NODE:_D_NODE + 1], 1.0)
    o_ref[...] = ps[:, :_D_OUT] / cnt + na_ref[...]


def _combine(partials, node_attr, interpret=False):
    n, d = node_attr.shape
    nt = 1024
    return pl.pallas_call(
        _combine_body,
        grid=(n // nt,),
        in_specs=[
            pl.BlockSpec((_NC, nt, _D_ROW), lambda i: (0, i, 0)),
            pl.BlockSpec((nt, d), lambda i: (i, 0)),
        ],
        out_specs=pl.BlockSpec((nt, d), lambda i: (i, 0)),
        out_shape=jax.ShapeDtypeStruct((n, d), jnp.float32),
        interpret=interpret,
    )(partials, node_attr)


def kernel(node_attr, edge_index, edge_attr, edge_sh, W1, b1, W2, b2):
    e = edge_index.shape[1]
    nchunk = e // (_NW * 128)
    src3 = edge_index[0].reshape(_NW, nchunk, 128)
    dst3 = edge_index[1].reshape(_NW, nchunk, 128)
    W2P, S64 = _prep_weights(W2, b2)
    node128 = jnp.pad(node_attr, ((0, 0), (0, 128 - node_attr.shape[1])))
    x = _sc_gather(node128, dst3)
    tp64 = _edge_compute(edge_attr, x, edge_sh, W1, b1, W2P, S64)
    n = node_attr.shape[0]
    zinit = jnp.zeros((n, _D_ROW), jnp.float32)
    partials = _sc_scatter(tp64, src3, zinit)
    return _combine(partials, node_attr)

# --- scband reference (transcript-rebuilt; emitter-appended) ---
"""Pipeline reference for scband-old-tensor-product-conv-layer-44220983280193 (READ-ONLY COPY).

The authoritative reference and input builder live on the scoring server;
editing this copy changes nothing except your own understanding.
"""

import jax, jax.numpy as jnp
import numpy as np

N_NODES = 4096
N_EDGES = 32768
D_NODE = 48   # 48x0e
D_SH = 1      # 1x0e
D_OUT = 48    # 48x0e
D_EDGE = 64
D_HID = 64
W_NUMEL = D_NODE * D_SH * D_OUT  # 2304, tp.weight_numel


def setup_inputs(seed: int = 0) -> dict:
    key = jax.random.key(seed)
    ks = jax.random.split(key, 8)
    node_attr = jax.random.normal(ks[0], (N_NODES, D_NODE), dtype=jnp.float32)
    edge_index = jax.random.randint(ks[1], (2, N_EDGES), 0, N_NODES, dtype=jnp.int32)
    edge_attr = jax.random.normal(ks[2], (N_EDGES, D_EDGE), dtype=jnp.float32)
    edge_sh = jax.random.normal(ks[3], (N_EDGES, D_SH), dtype=jnp.float32)
    # fc = Linear(64,64) -> ReLU -> Dropout(0) -> Linear(64, 2304)
    W1 = jax.random.normal(ks[4], (D_EDGE, D_HID), dtype=jnp.float32) / np.sqrt(D_EDGE)
    b1 = jnp.zeros((D_HID,), dtype=jnp.float32)
    W2 = jax.random.normal(ks[5], (D_HID, W_NUMEL), dtype=jnp.float32) / np.sqrt(D_HID)
    b2 = jnp.zeros((W_NUMEL,), dtype=jnp.float32)
    return {"node_attr": node_attr, "edge_index": edge_index, "edge_attr": edge_attr,
            "edge_sh": edge_sh, "W1": W1, "b1": b1, "W2": W2, "b2": b2}


def reference(node_attr, edge_index, edge_attr, edge_sh, W1, b1, W2, b2):
    edge_src = edge_index[0]
    edge_dst = edge_index[1]
    # fc(edge_attr) * edge_weight (edge_weight default 1.0, dropout=0 -> identity)
    h = jnp.maximum(edge_attr @ W1 + b1, 0.0)
    tp_w = h @ W2 + b2  # [E, weight_numel]
    # FullyConnectedTensorProduct('48x0e', '1x0e', '48x0e', shared_weights=False)
    # single path 0e x 0e -> 0e; w3j(0,0,0)=1; 'element' path normalization:
    # alpha = 1/fan_in, fan_in = mul1*mul2 = 48 -> factor 1/sqrt(48)
    x = node_attr[edge_dst]                       # gather [E, 48]
    wr = tp_w.reshape(-1, D_NODE, D_SH, D_OUT)    # [E, 48, 1, 48]
    tp = jnp.einsum('ei,ej,eijk->ek', x, edge_sh, wr) / jnp.sqrt(float(D_NODE * D_SH))
    # scatter(tp, edge_src, dim=0, dim_size=out_nodes, reduce='mean')
    sums = jax.ops.segment_sum(tp, edge_src, num_segments=N_NODES)
    cnt = jax.ops.segment_sum(jnp.ones((tp.shape[0],), jnp.float32), edge_src, num_segments=N_NODES)
    out = sums / jnp.maximum(cnt, 1.0)[:, None]
    # residual: F.pad(node_attr, (0, out_dim - in_dim)) with out_dim == in_dim -> no pad
    out = out + node_attr
    # batch_norm = None
    return out

if __name__ == "__main__":
    import jax
    _d = setup_inputs()
    print(jax.jit(kernel)(*tuple(_d.values())))

</pallas_src>

<mosaic_0001>
#map = affine_map<(d0, d1) -> (0, 0)>
#map1 = affine_map<(d0, d1) -> (0, 0, 0)>
module attributes {stable_mosaic.version = 14 : i64} {
  func.func @g(%arg0: i32, %arg1: i32, %arg2: memref<4096x128xf32, #tpu.memory_space<hbm>>, %arg3: memref<32x8x128xi32, #tpu.memory_space<hbm>>, %arg4: memref<32768x128xf32, #tpu.memory_space<hbm>>, %arg5: memref<8x128xi32, #tpu.memory_space<vmem>>, %arg6: memref<768x128xf32, #tpu.memory_space<vmem>>, %arg7: memref<!tpu.dma_semaphore, #tpu.memory_space<semaphore_mem>>, %arg8: memref<!tpu.dma_semaphore, #tpu.memory_space<semaphore_mem>>) attributes {dimension_semantics = [#tpu.dimension_semantics<core_parallel>, #tpu.dimension_semantics<subcore_parallel>], iteration_bounds = array<i64: 2, 16>, scalar_prefetch = 0 : i64, scratch_operands = 4 : i64, tpu.core_type = #tpu.core_type<sc_vector_subcore>, window_params = [{transform_indices = #map}, {transform_indices = #map1}, {transform_indices = #map}]} {
    %mul3A = arith.constant 16 : i32
    %mul3A_0 = arith.muli %arg0, %mul3A : i32
    %add3A = arith.addi %mul3A_0, %arg1 : i32
    %mul3A_1 = arith.constant 1024 : i32
    %mul3A_2 = arith.muli %add3A, %mul3A_1 : i32
    "tpu.region"() ({
      %run_scoped3A = tpu.sem_alloc : memref<!tpu.dma_semaphore, #tpu.memory_space<semaphore_mem>>
      %dma_start3A_337 = arith.constant 0 : i32
      %dma_start3A_338 = arith.constant 0 : i32
      %dma_start3A_339 = tpu.memref_slice %arg3[%add3A, %dma_start3A_337, %dma_start3A_338] : memref<32x8x128xi32, #tpu.memory_space<hbm>> -> memref<1x8x128xi32, #tpu.memory_space<hbm>>
      %dma_start3A_340 = tpu.memref_squeeze %dma_start3A_339 : memref<1x8x128xi32, #tpu.memory_space<hbm>> -> memref<8x128xi32, #tpu.memory_space<hbm>>
      %dma_start3A_341 = arith.constant 0 : i32
      %dma_start3A_342 = arith.constant 0 : i32
      %dma_start3A_343 = tpu.memref_slice %arg3[%add3A, %dma_start3A_341, %dma_start3A_342] : memref<32x8x128xi32, #tpu.memory_space<hbm>> -> memref<1x8x128xi32, #tpu.memory_space<hbm>>
      %dma_start3A_344 = tpu.memref_squeeze %dma_start3A_343 : memref<1x8x128xi32, #tpu.memory_space<hbm>> -> memref<8x128xi32, #tpu.memory_space<hbm>>
      tpu.enqueue_dma source(%dma_start3A_344 : memref<8x128xi32, #tpu.memory_space<hbm>>) target(%arg5 : memref<8x128xi32, #tpu.memory_space<vmem>>) target_semaphore(%run_scoped3A : memref<!tpu.dma_semaphore, #tpu.memory_space<semaphore_mem>>)
      %dma_wait3A_345 = arith.constant 0 : i32
      %dma_wait3A_346 = arith.constant 0 : i32
      %dma_wait3A_347 = tpu.memref_slice %arg3[%add3A, %dma_wait3A_345, %dma_wait3A_346] : memref<32x8x128xi32, #tpu.memory_space<hbm>> -> memref<1x8x128xi32, #tpu.memory_space<hbm>>
      %dma_wait3A_348 = tpu.memref_squeeze %dma_wait3A_347 : memref<1x8x128xi32, #tpu.memory_space<hbm>> -> memref<8x128xi32, #tpu.memory_space<hbm>>
      %dma_wait3A_349 = arith.constant 0 : i32
      %dma_wait3A_350 = arith.constant 0 : i32
      %dma_wait3A_351 = tpu.memref_slice %arg3[%add3A, %dma_wait3A_349, %dma_wait3A_350] : memref<32x8x128xi32, #tpu.memory_space<hbm>> -> memref<1x8x128xi32, #tpu.memory_space<hbm>>
      %dma_wait3A_352 = tpu.memref_squeeze %dma_wait3A_351 : memref<1x8x128xi32, #tpu.memory_space<hbm>> -> memref<8x128xi32, #tpu.memory_space<hbm>>
      tpu.wait_dma2 semaphore(%run_scoped3A : memref<!tpu.dma_semaphore, #tpu.memory_space<semaphore_mem>>) src(%dma_wait3A_352 : memref<8x128xi32, #tpu.memory_space<hbm>>) dst(%arg5 : memref<8x128xi32, #tpu.memory_space<vmem>>)
      tpu.yield
    }) : () -> ()
    %dma_start3A = arith.constant 0 : i32
    %dma_start3A_3 = arith.constant 0 : i32
    %dma_start3A_4 = arith.constant 0 : i32
    %dma_start3A_5 = tpu.memref_slice %arg6[%dma_start3A_3, %dma_start3A_4] : memref<768x128xf32, #tpu.memory_space<vmem>> -> memref<128x128xf32, #tpu.memory_space<vmem>>
    %dma_start3A_6 = arith.constant 0 : i32
    %dma_start3A_7 = tpu.memref_slice %arg5[%dma_start3A, %dma_start3A_6] : memref<8x128xi32, #tpu.memory_space<vmem>> -> memref<1x128xi32, #tpu.memory_space<vmem>>
    %dma_start3A_8 = tpu.memref_squeeze %dma_start3A_7 : memref<1x128xi32, #tpu.memory_space<vmem>> -> memref<128xi32, #tpu.memory_space<vmem>>
    %dma_start3A_9 = arith.constant 0 : i32
    %dma_start3A_10 = arith.constant 0 : i32
    %dma_start3A_11 = tpu.memref_slice %arg2[%dma_start3A_9, %dma_start3A_10] : memref<4096x128xf32, #tpu.memory_space<hbm>> -> memref<4096x128xf32, #tpu.memory_space<hbm>>
    tpu.enqueue_indirect_dma source(%dma_start3A_11 : memref<4096x128xf32, #tpu.memory_space<hbm>>) target(%dma_start3A_5 : memref<128x128xf32, #tpu.memory_space<vmem>>) offsets(%dma_start3A_8 : memref<128xi32, #tpu.memory_space<vmem>>) semaphore(%arg7 : memref<!tpu.dma_semaphore, #tpu.memory_space<semaphore_mem>>)
    %dma_start3A_12 = arith.constant 1 : i32
    %dma_start3A_13 = arith.constant 128 : i32
    %dma_start3A_14 = arith.constant 0 : i32
    %dma_start3A_15 = tpu.memref_slice %arg6[%dma_start3A_13, %dma_start3A_14] : memref<768x128xf32, #tpu.memory_space<vmem>> -> memref<128x128xf32, #tpu.memory_space<vmem>>
    %dma_start3A_16 = arith.constant 0 : i32
    %dma_start3A_17 = tpu.memref_slice %arg5[%dma_start3A_12, %dma_start3A_16] : memref<8x128xi32, #tpu.memory_space<vmem>> -> memref<1x128xi32, #tpu.memory_space<vmem>>
    %dma_start3A_18 = tpu.memref_squeeze %dma_start3A_17 : memref<1x128xi32, #tpu.memory_space<vmem>> -> memref<128xi32, #tpu.memory_space<vmem>>
    %dma_start3A_19 = arith.constant 0 : i32
    %dma_start3A_20 = arith.constant 0 : i32
    %dma_start3A_21 = tpu.memref_slice %arg2[%dma_start3A_19, %dma_start3A_20] : memref<4096x128xf32, #tpu.memory_space<hbm>> -> memref<4096x128xf32, #tpu.memory_space<hbm>>
    tpu.enqueue_indirect_dma source(%dma_start3A_21 : memref<4096x128xf32, #tpu.memory_space<hbm>>) target(%dma_start3A_15 : memref<128x128xf32, #tpu.memory_space<vmem>>) offsets(%dma_start3A_18 : memref<128xi32, #tpu.memory_space<vmem>>) semaphore(%arg7 : memref<!tpu.dma_semaphore, #tpu.memory_space<semaphore_mem>>)
    %dma_start3A_22 = arith.constant 2 : i32
    %dma_start3A_23 = arith.constant 256 : i32
    %dma_start3A_24 = arith.constant 0 : i32
    %dma_start3A_25 = tpu.memref_slice %arg6[%dma_start3A_23, %dma_start3A_24] : memref<768x128xf32, #tpu.memory_space<vmem>> -> memref<128x128xf32, #tpu.memory_space<vmem>>
    %dma_start3A_26 = arith.constant 0 : i32
    %dma_start3A_27 = tpu.memref_slice %arg5[%dma_start3A_22, %dma_start3A_26] : memref<8x128xi32, #tpu.memory_space<vmem>> -> memref<1x128xi32, #tpu.memory_space<vmem>>
    %dma_start3A_28 = tpu.memref_squeeze %dma_start3A_27 : memref<1x128xi32, #tpu.memory_space<vmem>> -> memref<128xi32, #tpu.memory_space<vmem>>
    %dma_start3A_29 = arith.constant 0 : i32
    %dma_start3A_30 = arith.constant 0 : i32
    %dma_start3A_31 = tpu.memref_slice %arg2[%dma_start3A_29, %dma_start3A_30] : memref<4096x128xf32, #tpu.memory_space<hbm>> -> memref<4096x128xf32, #tpu.memory_space<hbm>>
    tpu.enqueue_indirect_dma source(%dma_start3A_31 : memref<4096x128xf32, #tpu.memory_space<hbm>>) target(%dma_start3A_25 : memref<128x128xf32, #tpu.memory_space<vmem>>) offsets(%dma_start3A_28 : memref<128xi32, #tpu.memory_space<vmem>>) semaphore(%arg7 : memref<!tpu.dma_semaphore, #tpu.memory_space<semaphore_mem>>)
    %dma_start3A_32 = arith.constant 3 : i32
    %dma_start3A_33 = arith.constant 384 : i32
    %dma_start3A_34 = arith.constant 0 : i32
    %dma_start3A_35 = tpu.memref_slice %arg6[%dma_start3A_33, %dma_start3A_34] : memref<768x128xf32, #tpu.memory_space<vmem>> -> memref<128x128xf32, #tpu.memory_space<vmem>>
    %dma_start3A_36 = arith.constant 0 : i32
    %dma_start3A_37 = tpu.memref_slice %arg5[%dma_start3A_32, %dma_start3A_36] : memref<8x128xi32, #tpu.memory_space<vmem>> -> memref<1x128xi32, #tpu.memory_space<vmem>>
    %dma_start3A_38 = tpu.memref_squeeze %dma_start3A_37 : memref<1x128xi32, #tpu.memory_space<vmem>> -> memref<128xi32, #tpu.memory_space<vmem>>
    %dma_start3A_39 = arith.constant 0 : i32
    %dma_start3A_40 = arith.constant 0 : i32
    %dma_start3A_41 = tpu.memref_slice %arg2[%dma_start3A_39, %dma_start3A_40] : memref<4096x128xf32, #tpu.memory_space<hbm>> -> memref<4096x128xf32, #tpu.memory_space<hbm>>
    tpu.enqueue_indirect_dma source(%dma_start3A_41 : memref<4096x128xf32, #tpu.memory_space<hbm>>) target(%dma_start3A_35 : memref<128x128xf32, #tpu.memory_space<vmem>>) offsets(%dma_start3A_38 : memref<128xi32, #tpu.memory_space<vmem>>) semaphore(%arg7 : memref<!tpu.dma_semaphore, #tpu.memory_space<semaphore_mem>>)
    %dma_start3A_42 = arith.constant 4 : i32
    %dma_start3A_43 = arith.constant 512 : i32
    %dma_start3A_44 = arith.constant 0 : i32
    %dma_start3A_45 = tpu.memref_slice %arg6[%dma_start3A_43, %dma_start3A_44] : memref<768x128xf32, #tpu.memory_space<vmem>> -> memref<128x128xf32, #tpu.memory_space<vmem>>
    %dma_start3A_46 = arith.constant 0 : i32
    %dma_start3A_47 = tpu.memref_slice %arg5[%dma_start3A_42, %dma_start3A_46] : memref<8x128xi32, #tpu.memory_space<vmem>> -> memref<1x128xi32, #tpu.memory_space<vmem>>
    %dma_start3A_48 = tpu.memref_squeeze %dma_start3A_47 : memref<1x128xi32, #tpu.memory_space<vmem>> -> memref<128xi32, #tpu.memory_space<vmem>>
    %dma_start3A_49 = arith.constant 0 : i32
    %dma_start3A_50 = arith.constant 0 : i32
    %dma_start3A_51 = tpu.memref_slice %arg2[%dma_start3A_49, %dma_start3A_50] : memref<4096x128xf32, #tpu.memory_space<hbm>> -> memref<4096x128xf32, #tpu.memory_space<hbm>>
    tpu.enqueue_indirect_dma source(%dma_start3A_51 : memref<4096x128xf32, #tpu.memory_space<hbm>>) target(%dma_start3A_45 : memref<128x128xf32, #tpu.memory_space<vmem>>) offsets(%dma_start3A_48 : memref<128xi32, #tpu.memory_space<vmem>>) semaphore(%arg7 : memref<!tpu.dma_semaphore, #tpu.memory_space<semaphore_mem>>)
    %dma_start3A_52 = arith.constant 5 : i32
    %dma_start3A_53 = arith.constant 640 : i32
    %dma_start3A_54 = arith.constant 0 : i32
    %dma_start3A_55 = tpu.memref_slice %arg6[%dma_start3A_53, %dma_start3A_54] : memref<768x128xf32, #tpu.memory_space<vmem>> -> memref<128x128xf32, #tpu.memory_space<vmem>>
    %dma_start3A_56 = arith.constant 0 : i32
    %dma_start3A_57 = tpu.memref_slice %arg5[%dma_start3A_52, %dma_start3A_56] : memref<8x128xi32, #tpu.memory_space<vmem>> -> memref<1x128xi32, #tpu.memory_space<vmem>>
    %dma_start3A_58 = tpu.memref_squeeze %dma_start3A_57 : memref<1x128xi32, #tpu.memory_space<vmem>> -> memref<128xi32, #tpu.memory_space<vmem>>
    %dma_start3A_59 = arith.constant 0 : i32
    %dma_start3A_60 = arith.constant 0 : i32
    %dma_start3A_61 = tpu.memref_slice %arg2[%dma_start3A_59, %dma_start3A_60] : memref<4096x128xf32, #tpu.memory_space<hbm>> -> memref<4096x128xf32, #tpu.memory_space<hbm>>
    tpu.enqueue_indirect_dma source(%dma_start3A_61 : memref<4096x128xf32, #tpu.memory_space<hbm>>) target(%dma_start3A_55 : memref<128x128xf32, #tpu.memory_space<vmem>>) offsets(%dma_start3A_58 : memref<128xi32, #tpu.memory_space<vmem>>) semaphore(%arg7 : memref<!tpu.dma_semaphore, #tpu.memory_space<semaphore_mem>>)
    %dma_wait3A = arith.constant 0 : i32
    %dma_wait3A_62 = arith.constant 0 : i32
    %dma_wait3A_63 = arith.constant 0 : i32
    %dma_wait3A_64 = tpu.memref_slice %arg6[%dma_wait3A_62, %dma_wait3A_63] : memref<768x128xf32, #tpu.memory_space<vmem>> -> memref<128x128xf32, #tpu.memory_space<vmem>>
    %dma_wait3A_65 = arith.constant 0 : i32
    %dma_wait3A_66 = tpu.memref_slice %arg5[%dma_wait3A, %dma_wait3A_65] : memref<8x128xi32, #tpu.memory_space<vmem>> -> memref<1x128xi32, #tpu.memory_space<vmem>>
    %dma_wait3A_67 = tpu.memref_squeeze %dma_wait3A_66 : memref<1x128xi32, #tpu.memory_space<vmem>> -> memref<128xi32, #tpu.memory_space<vmem>>
    %dma_wait3A_68 = arith.constant 0 : i32
    %dma_wait3A_69 = arith.constant 0 : i32
    %dma_wait3A_70 = tpu.memref_slice %arg2[%dma_wait3A_68, %dma_wait3A_69] : memref<4096x128xf32, #tpu.memory_space<hbm>> -> memref<4096x128xf32, #tpu.memory_space<hbm>>
    tpu.wait_indirect_dma semaphore(%arg7 : memref<!tpu.dma_semaphore, #tpu.memory_space<semaphore_mem>>) src(%dma_wait3A_70 : memref<4096x128xf32, #tpu.memory_space<hbm>>) dst(%dma_wait3A_64 : memref<128x128xf32, #tpu.memory_space<vmem>>)
    %add3A_71 = arith.constant 0 : i32
    %add3A_72 = arith.addi %mul3A_2, %add3A_71 : i32
    %dma_start3A_73 = arith.constant 0 : i32
    %dma_start3A_74 = arith.constant 0 : i32
    %dma_start3A_75 = tpu.memref_slice %arg6[%dma_start3A_73, %dma_start3A_74] : memref<768x128xf32, #tpu.memory_space<vmem>> -> memref<128x128xf32, #tpu.memory_space<vmem>>
    %dma_start3A_76 = arith.constant 0 : i32
    %dma_start3A_77 = tpu.memref_slice %arg4[%add3A_72, %dma_start3A_76] : memref<32768x128xf32, #tpu.memory_space<hbm>> -> memref<128x128xf32, #tpu.memory_space<hbm>>
    %dma_start3A_78 = arith.constant 0 : i32
    %dma_start3A_79 = tpu.memref_slice %arg4[%add3A_72, %dma_start3A_78] : memref<32768x128xf32, #tpu.memory_space<hbm>> -> memref<128x128xf32, #tpu.memory_space<hbm>>
    %dma_start3A_80 = arith.constant 0 : i32
    %dma_start3A_81 = arith.constant 0 : i32
    %dma_start3A_82 = tpu.memref_slice %arg6[%dma_start3A_80, %dma_start3A_81] : memref<768x128xf32, #tpu.memory_space<vmem>> -> memref<128x128xf32, #tpu.memory_space<vmem>>
    tpu.enqueue_dma source(%dma_start3A_82 : memref<128x128xf32, #tpu.memory_space<vmem>>) target(%dma_start3A_79 : memref<128x128xf32, #tpu.memory_space<hbm>>) target_semaphore(%arg8 : memref<!tpu.dma_semaphore, #tpu.memory_space<semaphore_mem>>)
    %dma_wait3A_83 = arith.constant 0 : i32
    %dma_wait3A_84 = arith.constant 0 : i32
    %dma_wait3A_85 = tpu.memref_slice %arg6[%dma_wait3A_83, %dma_wait3A_84] : memref<768x128xf32, #tpu.memory_space<vmem>> -> memref<128x128xf32, #tpu.memory_space<vmem>>
    %dma_wait3A_86 = arith.constant 0 : i32
    %dma_wait3A_87 = tpu.memref_slice %arg4[%add3A_72, %dma_wait3A_86] : memref<32768x128xf32, #tpu.memory_space<hbm>> -> memref<128x128xf32, #tpu.memory_space<hbm>>
    %dma_wait3A_88 = arith.constant 0 : i32
    %dma_wait3A_89 = tpu.memref_slice %arg4[%add3A_72, %dma_wait3A_88] : memref<32768x128xf32, #tpu.memory_space<hbm>> -> memref<128x128xf32, #tpu.memory_space<hbm>>
    %dma_wait3A_90 = arith.constant 0 : i32
    %dma_wait3A_91 = arith.constant 0 : i32
    %dma_wait3A_92 = tpu.memref_slice %arg6[%dma_wait3A_90, %dma_wait3A_91] : memref<768x128xf32, #tpu.memory_space<vmem>> -> memref<128x128xf32, #tpu.memory_space<vmem>>
    tpu.wait_dma2 semaphore(%arg8 : memref<!tpu.dma_semaphore, #tpu.memory_space<semaphore_mem>>) src(%dma_wait3A_92 : memref<128x128xf32, #tpu.memory_space<vmem>>) dst(%dma_wait3A_89 : memref<128x128xf32, #tpu.memory_space<hbm>>)
    %dma_start3A_93 = arith.constant 6 : i32
    %dma_start3A_94 = arith.constant 0 : i32
    %dma_start3A_95 = arith.constant 0 : i32
    %dma_start3A_96 = tpu.memref_slice %arg6[%dma_start3A_94, %dma_start3A_95] : memref<768x128xf32, #tpu.memory_space<vmem>> -> memref<128x128xf32, #tpu.memory_space<vmem>>
    %dma_start3A_97 = arith.constant 0 : i32
    %dma_start3A_98 = tpu.memref_slice %arg5[%dma_start3A_93, %dma_start3A_97] : memref<8x128xi32, #tpu.memory_space<vmem>> -> memref<1x128xi32, #tpu.memory_space<vmem>>
    %dma_start3A_99 = tpu.memref_squeeze %dma_start3A_98 : memref<1x128xi32, #tpu.memory_space<vmem>> -> memref<128xi32, #tpu.memory_space<vmem>>
    %dma_start3A_100 = arith.constant 0 : i32
    %dma_start3A_101 = arith.constant 0 : i32
    %dma_start3A_102 = tpu.memref_slice %arg2[%dma_start3A_100, %dma_start3A_101] : memref<4096x128xf32, #tpu.memory_space<hbm>> -> memref<4096x128xf32, #tpu.memory_space<hbm>>
    tpu.enqueue_indirect_dma source(%dma_start3A_102 : memref<4096x128xf32, #tpu.memory_space<hbm>>) target(%dma_start3A_96 : memref<128x128xf32, #tpu.memory_space<vmem>>) offsets(%dma_start3A_99 : memref<128xi32, #tpu.memory_space<vmem>>) semaphore(%arg7 : memref<!tpu.dma_semaphore, #tpu.memory_space<semaphore_mem>>)
    %dma_wait3A_103 = arith.constant 1 : i32
    %dma_wait3A_104 = arith.constant 128 : i32
    %dma_wait3A_105 = arith.constant 0 : i32
    %dma_wait3A_106 = tpu.memref_slice %arg6[%dma_wait3A_104, %dma_wait3A_105] : memref<768x128xf32, #tpu.memory_space<vmem>> -> memref<128x128xf32, #tpu.memory_space<vmem>>
    %dma_wait3A_107 = arith.constant 0 : i32
    %dma_wait3A_108 = tpu.memref_slice %arg5[%dma_wait3A_103, %dma_wait3A_107] : memref<8x128xi32, #tpu.memory_space<vmem>> -> memref<1x128xi32, #tpu.memory_space<vmem>>
    %dma_wait3A_109 = tpu.memref_squeeze %dma_wait3A_108 : memref<1x128xi32, #tpu.memory_space<vmem>> -> memref<128xi32, #tpu.memory_space<vmem>>
    %dma_wait3A_110 = arith.constant 0 : i32
    %dma_wait3A_111 = arith.constant 0 : i32
    %dma_wait3A_112 = tpu.memref_slice %arg2[%dma_wait3A_110, %dma_wait3A_111] : memref<4096x128xf32, #tpu.memory_space<hbm>> -> memref<4096x128xf32, #tpu.memory_space<hbm>>
    tpu.wait_indirect_dma semaphore(%arg7 : memref<!tpu.dma_semaphore, #tpu.memory_space<semaphore_mem>>) src(%dma_wait3A_112 : memref<4096x128xf32, #tpu.memory_space<hbm>>) dst(%dma_wait3A_106 : memref<128x128xf32, #tpu.memory_space<vmem>>)
    %add3A_113 = arith.constant 128 : i32
    %add3A_114 = arith.addi %mul3A_2, %add3A_113 : i32
    %dma_start3A_115 = arith.constant 128 : i32
    %dma_start3A_116 = arith.constant 0 : i32
    %dma_start3A_117 = tpu.memref_slice %arg6[%dma_start3A_115, %dma_start3A_116] : memref<768x128xf32, #tpu.memory_space<vmem>> -> memref<128x128xf32, #tpu.memory_space<vmem>>
    %dma_start3A_118 = arith.constant 0 : i32
    %dma_start3A_119 = tpu.memref_slice %arg4[%add3A_114, %dma_start3A_118] : memref<32768x128xf32, #tpu.memory_space<hbm>> -> memref<128x128xf32, #tpu.memory_space<hbm>>
    %dma_start3A_120 = arith.constant 0 : i32
    %dma_start3A_121 = tpu.memref_slice %arg4[%add3A_114, %dma_start3A_120] : memref<32768x128xf32, #tpu.memory_space<hbm>> -> memref<128x128xf32, #tpu.memory_space<hbm>>
    %dma_start3A_122 = arith.constant 128 : i32
    %dma_start3A_123 = arith.constant 0 : i32
    %dma_start3A_124 = tpu.memref_slice %arg6[%dma_start3A_122, %dma_start3A_123] : memref<768x128xf32, #tpu.memory_space<vmem>> -> memref<128x128xf32, #tpu.memory_space<vmem>>
    tpu.enqueue_dma source(%dma_start3A_124 : memref<128x128xf32, #tpu.memory_space<vmem>>) target(%dma_start3A_121 : memref<128x128xf32, #tpu.memory_space<hbm>>) target_semaphore(%arg8 : memref<!tpu.dma_semaphore, #tpu.memory_space<semaphore_mem>>)
    %dma_wait3A_125 = arith.constant 128 : i32
    %dma_wait3A_126 = arith.constant 0 : i32
    %dma_wait3A_127 = tpu.memref_slice %arg6[%dma_wait3A_125, %dma_wait3A_126] : memref<768x128xf32, #tpu.memory_space<vmem>> -> memref<128x128xf32, #tpu.memory_space<vmem>>
    %dma_wait3A_128 = arith.constant 0 : i32
    %dma_wait3A_129 = tpu.memref_slice %arg4[%add3A_114, %dma_wait3A_128] : memref<32768x128xf32, #tpu.memory_space<hbm>> -> memref<128x128xf32, #tpu.memory_space<hbm>>
    %dma_wait3A_130 = arith.constant 0 : i32
    %dma_wait3A_131 = tpu.memref_slice %arg4[%add3A_114, %dma_wait3A_130] : memref<32768x128xf32, #tpu.memory_space<hbm>> -> memref<128x128xf32, #tpu.memory_space<hbm>>
    %dma_wait3A_132 = arith.constant 128 : i32
    %dma_wait3A_133 = arith.constant 0 : i32
    %dma_wait3A_134 = tpu.memref_slice %arg6[%dma_wait3A_132, %dma_wait3A_133] : memref<768x128xf32, #tpu.memory_space<vmem>> -> memref<128x128xf32, #tpu.memory_space<vmem>>
    tpu.wait_dma2 semaphore(%arg8 : memref<!tpu.dma_semaphore, #tpu.memory_space<semaphore_mem>>) src(%dma_wait3A_134 : memref<128x128xf32, #tpu.memory_space<vmem>>) dst(%dma_wait3A_131 : memref<128x128xf32, #tpu.memory_space<hbm>>)
    %dma_start3A_135 = arith.constant 7 : i32
    %dma_start3A_136 = arith.constant 128 : i32
    %dma_start3A_137 = arith.constant 0 : i32
    %dma_start3A_138 = tpu.memref_slice %arg6[%dma_start3A_136, %dma_start3A_137] : memref<768x128xf32, #tpu.memory_space<vmem>> -> memref<128x128xf32, #tpu.memory_space<vmem>>
    %dma_start3A_139 = arith.constant 0 : i32
    %dma_start3A_140 = tpu.memref_slice %arg5[%dma_start3A_135, %dma_start3A_139] : memref<8x128xi32, #tpu.memory_space<vmem>> -> memref<1x128xi32, #tpu.memory_space<vmem>>
    %dma_start3A_141 = tpu.memref_squeeze %dma_start3A_140 : memref<1x128xi32, #tpu.memory_space<vmem>> -> memref<128xi32, #tpu.memory_space<vmem>>
    %dma_start3A_142 = arith.constant 0 : i32
    %dma_start3A_143 = arith.constant 0 : i32
    %dma_start3A_144 = tpu.memref_slice %arg2[%dma_start3A_142, %dma_start3A_143] : memref<4096x128xf32, #tpu.memory_space<hbm>> -> memref<4096x128xf32, #tpu.memory_space<hbm>>
    tpu.enqueue_indirect_dma source(%dma_start3A_144 : memref<4096x128xf32, #tpu.memory_space<hbm>>) target(%dma_start3A_138 : memref<128x128xf32, #tpu.memory_space<vmem>>) offsets(%dma_start3A_141 : memref<128xi32, #tpu.memory_space<vmem>>) semaphore(%arg7 : memref<!tpu.dma_semaphore, #tpu.memory_space<semaphore_mem>>)
    %dma_wait3A_145 = arith.constant 2 : i32
    %dma_wait3A_146 = arith.constant 256 : i32
    %dma_wait3A_147 = arith.constant 0 : i32
    %dma_wait3A_148 = tpu.memref_slice %arg6[%dma_wait3A_146, %dma_wait3A_147] : memref<768x128xf32, #tpu.memory_space<vmem>> -> memref<128x128xf32, #tpu.memory_space<vmem>>
    %dma_wait3A_149 = arith.constant 0 : i32
    %dma_wait3A_150 = tpu.memref_slice %arg5[%dma_wait3A_145, %dma_wait3A_149] : memref<8x128xi32, #tpu.memory_space<vmem>> -> memref<1x128xi32, #tpu.memory_space<vmem>>
    %dma_wait3A_151 = tpu.memref_squeeze %dma_wait3A_150 : memref<1x128xi32, #tpu.memory_space<vmem>> -> memref<128xi32, #tpu.memory_space<vmem>>
    %dma_wait3A_152 = arith.constant 0 : i32
    %dma_wait3A_153 = arith.constant 0 : i32
    %dma_wait3A_154 = tpu.memref_slice %arg2[%dma_wait3A_152, %dma_wait3A_153] : memref<4096x128xf32, #tpu.memory_space<hbm>> -> memref<4096x128xf32, #tpu.memory_space<hbm>>
    tpu.wait_indirect_dma semaphore(%arg7 : memref<!tpu.dma_semaphore, #tpu.memory_space<semaphore_mem>>) src(%dma_wait3A_154 : memref<4096x128xf32, #tpu.memory_space<hbm>>) dst(%dma_wait3A_148 : memref<128x128xf32, #tpu.memory_space<vmem>>)
    %add3A_155 = arith.constant 256 : i32
    %add3A_156 = arith.addi %mul3A_2, %add3A_155 : i32
    %dma_start3A_157 = arith.constant 256 : i32
    %dma_start3A_158 = arith.constant 0 : i32
    %dma_start3A_159 = tpu.memref_slice %arg6[%dma_start3A_157, %dma_start3A_158] : memref<768x128xf32, #tpu.memory_space<vmem>> -> memref<128x128xf32, #tpu.memory_space<vmem>>
    %dma_start3A_160 = arith.constant 0 : i32
    %dma_start3A_161 = tpu.memref_slice %arg4[%add3A_156, %dma_start3A_160] : memref<32768x128xf32, #tpu.memory_space<hbm>> -> memref<128x128xf32, #tpu.memory_space<hbm>>
    %dma_start3A_162 = arith.constant 0 : i32
    %dma_start3A_163 = tpu.memref_slice %arg4[%add3A_156, %dma_start3A_162] : memref<32768x128xf32, #tpu.memory_space<hbm>> -> memref<128x128xf32, #tpu.memory_space<hbm>>
    %dma_start3A_164 = arith.constant 256 : i32
    %dma_start3A_165 = arith.constant 0 : i32
    %dma_start3A_166 = tpu.memref_slice %arg6[%dma_start3A_164, %dma_start3A_165] : memref<768x128xf32, #tpu.memory_space<vmem>> -> memref<128x128xf32, #tpu.memory_space<vmem>>
    tpu.enqueue_dma source(%dma_start3A_166 : memref<128x128xf32, #tpu.memory_space<vmem>>) target(%dma_start3A_163 : memref<128x128xf32, #tpu.memory_space<hbm>>) target_semaphore(%arg8 : memref<!tpu.dma_semaphore, #tpu.memory_space<semaphore_mem>>)
    %dma_wait3A_167 = arith.constant 3 : i32
    %dma_wait3A_168 = arith.constant 384 : i32
    %dma_wait3A_169 = arith.constant 0 : i32
    %dma_wait3A_170 = tpu.memref_slice %arg6[%dma_wait3A_168, %dma_wait3A_169] : memref<768x128xf32, #tpu.memory_space<vmem>> -> memref<128x128xf32, #tpu.memory_space<vmem>>
    %dma_wait3A_171 = arith.constant 0 : i32
    %dma_wait3A_172 = tpu.memref_slice %arg5[%dma_wait3A_167, %dma_wait3A_171] : memref<8x128xi32, #tpu.memory_space<vmem>> -> memref<1x128xi32, #tpu.memory_space<vmem>>
    %dma_wait3A_173 = tpu.memref_squeeze %dma_wait3A_172 : memref<1x128xi32, #tpu.memory_space<vmem>> -> memref<128xi32, #tpu.memory_space<vmem>>
    %dma_wait3A_174 = arith.constant 0 : i32
    %dma_wait3A_175 = arith.constant 0 : i32
    %dma_wait3A_176 = tpu.memref_slice %arg2[%dma_wait3A_174, %dma_wait3A_175] : memref<4096x128xf32, #tpu.memory_space<hbm>> -> memref<4096x128xf32, #tpu.memory_space<hbm>>
    tpu.wait_indirect_dma semaphore(%arg7 : memref<!tpu.dma_semaphore, #tpu.memory_space<semaphore_mem>>) src(%dma_wait3A_176 : memref<4096x128xf32, #tpu.memory_space<hbm>>) dst(%dma_wait3A_170 : memref<128x128xf32, #tpu.memory_space<vmem>>)
    %add3A_177 = arith.constant 384 : i32
    %add3A_178 = arith.addi %mul3A_2, %add3A_177 : i32
    %dma_start3A_179 = arith.constant 384 : i32
    %dma_start3A_180 = arith.constant 0 : i32
    %dma_start3A_181 = tpu.memref_slice %arg6[%dma_start3A_179, %dma_start3A_180] : memref<768x128xf32, #tpu.memory_space<vmem>> -> memref<128x128xf32, #tpu.memory_space<vmem>>
    %dma_start3A_182 = arith.constant 0 : i32
    %dma_start3A_183 = tpu.memref_slice %arg4[%add3A_178, %dma_start3A_182] : memref<32768x128xf32, #tpu.memory_space<hbm>> -> memref<128x128xf32, #tpu.memory_space<hbm>>
    %dma_start3A_184 = arith.constant 0 : i32
    %dma_start3A_185 = tpu.memref_slice %arg4[%add3A_178, %dma_start3A_184] : memref<32768x128xf32, #tpu.memory_space<hbm>> -> memref<128x128xf32, #tpu.memory_space<hbm>>
    %dma_start3A_186 = arith.constant 384 : i32
    %dma_start3A_187 = arith.constant 0 : i32
    %dma_start3A_188 = tpu.memref_slice %arg6[%dma_start3A_186, %dma_start3A_187] : memref<768x128xf32, #tpu.memory_space<vmem>> -> memref<128x128xf32, #tpu.memory_space<vmem>>
    tpu.enqueue_dma source(%dma_start3A_188 : memref<128x128xf32, #tpu.memory_space<vmem>>) target(%dma_start3A_185 : memref<128x128xf32, #tpu.memory_space<hbm>>) target_semaphore(%arg8 : memref<!tpu.dma_semaphore, #tpu.memory_space<semaphore_mem>>)
    %dma_wait3A_189 = arith.constant 4 : i32
    %dma_wait3A_190 = arith.constant 512 : i32
    %dma_wait3A_191 = arith.constant 0 : i32
    %dma_wait3A_192 = tpu.memref_slice %arg6[%dma_wait3A_190, %dma_wait3A_191] : memref<768x128xf32, #tpu.memory_space<vmem>> -> memref<128x128xf32, #tpu.memory_space<vmem>>
    %dma_wait3A_193 = arith.constant 0 : i32
    %dma_wait3A_194 = tpu.memref_slice %arg5[%dma_wait3A_189, %dma_wait3A_193] : memref<8x128xi32, #tpu.memory_space<vmem>> -> memref<1x128xi32, #tpu.memory_space<vmem>>
    %dma_wait3A_195 = tpu.memref_squeeze %dma_wait3A_194 : memref<1x128xi32, #tpu.memory_space<vmem>> -> memref<128xi32, #tpu.memory_space<vmem>>
    %dma_wait3A_196 = arith.constant 0 : i32
    %dma_wait3A_197 = arith.constant 0 : i32
    %dma_wait3A_198 = tpu.memref_slice %arg2[%dma_wait3A_196, %dma_wait3A_197] : memref<4096x128xf32, #tpu.memory_space<hbm>> -> memref<4096x128xf32, #tpu.memory_space<hbm>>
    tpu.wait_indirect_dma semaphore(%arg7 : memref<!tpu.dma_semaphore, #tpu.memory_space<semaphore_mem>>) src(%dma_wait3A_198 : memref<4096x128xf32, #tpu.memory_space<hbm>>) dst(%dma_wait3A_192 : memref<128x128xf32, #tpu.memory_space<vmem>>)
    %add3A_199 = arith.constant 512 : i32
    %add3A_200 = arith.addi %mul3A_2, %add3A_199 : i32
    %dma_start3A_201 = arith.constant 512 : i32
    %dma_start3A_202 = arith.constant 0 : i32
    %dma_start3A_203 = tpu.memref_slice %arg6[%dma_start3A_201, %dma_start3A_202] : memref<768x128xf32, #tpu.memory_space<vmem>> -> memref<128x128xf32, #tpu.memory_space<vmem>>
    %dma_start3A_204 = arith.constant 0 : i32
    %dma_start3A_205 = tpu.memref_slice %arg4[%add3A_200, %dma_start3A_204] : memref<32768x128xf32, #tpu.memory_space<hbm>> -> memref<128x128xf32, #tpu.memory_space<hbm>>
    %dma_start3A_206 = arith.constant 0 : i32
    %dma_start3A_207 = tpu.memref_slice %arg4[%add3A_200, %dma_start3A_206] : memref<32768x128xf32, #tpu.memory_space<hbm>> -> memref<128x128xf32, #tpu.memory_space<hbm>>
    %dma_start3A_208 = arith.constant 512 : i32
    %dma_start3A_209 = arith.constant 0 : i32
    %dma_start3A_210 = tpu.memref_slice %arg6[%dma_start3A_208, %dma_start3A_209] : memref<768x128xf32, #tpu.memory_space<vmem>> -> memref<128x128xf32, #tpu.memory_space<vmem>>
    tpu.enqueue_dma source(%dma_start3A_210 : memref<128x128xf32, #tpu.memory_space<vmem>>) target(%dma_start3A_207 : memref<128x128xf32, #tpu.memory_space<hbm>>) target_semaphore(%arg8 : memref<!tpu.dma_semaphore, #tpu.memory_space<semaphore_mem>>)
    %dma_wait3A_211 = arith.constant 5 : i32
    %dma_wait3A_212 = arith.constant 640 : i32
    %dma_wait3A_213 = arith.constant 0 : i32
    %dma_wait3A_214 = tpu.memref_slice %arg6[%dma_wait3A_212, %dma_wait3A_213] : memref<768x128xf32, #tpu.memory_space<vmem>> -> memref<128x128xf32, #tpu.memory_space<vmem>>
    %dma_wait3A_215 = arith.constant 0 : i32
    %dma_wait3A_216 = tpu.memref_slice %arg5[%dma_wait3A_211, %dma_wait3A_215] : memref<8x128xi32, #tpu.memory_space<vmem>> -> memref<1x128xi32, #tpu.memory_space<vmem>>
    %dma_wait3A_217 = tpu.memref_squeeze %dma_wait3A_216 : memref<1x128xi32, #tpu.memory_space<vmem>> -> memref<128xi32, #tpu.memory_space<vmem>>
    %dma_wait3A_218 = arith.constant 0 : i32
    %dma_wait3A_219 = arith.constant 0 : i32
    %dma_wait3A_220 = tpu.memref_slice %arg2[%dma_wait3A_218, %dma_wait3A_219] : memref<4096x128xf32, #tpu.memory_space<hbm>> -> memref<4096x128xf32, #tpu.memory_space<hbm>>
    tpu.wait_indirect_dma semaphore(%arg7 : memref<!tpu.dma_semaphore, #tpu.memory_space<semaphore_mem>>) src(%dma_wait3A_220 : memref<4096x128xf32, #tpu.memory_space<hbm>>) dst(%dma_wait3A_214 : memref<128x128xf32, #tpu.memory_space<vmem>>)
    %add3A_221 = arith.constant 640 : i32
    %add3A_222 = arith.addi %mul3A_2, %add3A_221 : i32
    %dma_start3A_223 = arith.constant 640 : i32
    %dma_start3A_224 = arith.constant 0 : i32
    %dma_start3A_225 = tpu.memref_slice %arg6[%dma_start3A_223, %dma_start3A_224] : memref<768x128xf32, #tpu.memory_space<vmem>> -> memref<128x128xf32, #tpu.memory_space<vmem>>
    %dma_start3A_226 = arith.constant 0 : i32
    %dma_start3A_227 = tpu.memref_slice %arg4[%add3A_222, %dma_start3A_226] : memref<32768x128xf32, #tpu.memory_space<hbm>> -> memref<128x128xf32, #tpu.memory_space<hbm>>
    %dma_start3A_228 = arith.constant 0 : i32
    %dma_start3A_229 = tpu.memref_slice %arg4[%add3A_222, %dma_start3A_228] : memref<32768x128xf32, #tpu.memory_space<hbm>> -> memref<128x128xf32, #tpu.memory_space<hbm>>
    %dma_start3A_230 = arith.constant 640 : i32
    %dma_start3A_231 = arith.constant 0 : i32
    %dma_start3A_232 = tpu.memref_slice %arg6[%dma_start3A_230, %dma_start3A_231] : memref<768x128xf32, #tpu.memory_space<vmem>> -> memref<128x128xf32, #tpu.memory_space<vmem>>
    tpu.enqueue_dma source(%dma_start3A_232 : memref<128x128xf32, #tpu.memory_space<vmem>>) target(%dma_start3A_229 : memref<128x128xf32, #tpu.memory_space<hbm>>) target_semaphore(%arg8 : memref<!tpu.dma_semaphore, #tpu.memory_space<semaphore_mem>>)
    %dma_wait3A_233 = arith.constant 6 : i32
    %dma_wait3A_234 = arith.constant 0 : i32
    %dma_wait3A_235 = arith.constant 0 : i32
    %dma_wait3A_236 = tpu.memref_slice %arg6[%dma_wait3A_234, %dma_wait3A_235] : memref<768x128xf32, #tpu.memory_space<vmem>> -> memref<128x128xf32, #tpu.memory_space<vmem>>
    %dma_wait3A_237 = arith.constant 0 : i32
    %dma_wait3A_238 = tpu.memref_slice %arg5[%dma_wait3A_233, %dma_wait3A_237] : memref<8x128xi32, #tpu.memory_space<vmem>> -> memref<1x128xi32, #tpu.memory_space<vmem>>
    %dma_wait3A_239 = tpu.memref_squeeze %dma_wait3A_238 : memref<1x128xi32, #tpu.memory_space<vmem>> -> memref<128xi32, #tpu.memory_space<vmem>>
    %dma_wait3A_240 = arith.constant 0 : i32
    %dma_wait3A_241 = arith.constant 0 : i32
    %dma_wait3A_242 = tpu.memref_slice %arg2[%dma_wait3A_240, %dma_wait3A_241] : memref<4096x128xf32, #tpu.memory_space<hbm>> -> memref<4096x128xf32, #tpu.memory_space<hbm>>
    tpu.wait_indirect_dma semaphore(%arg7 : memref<!tpu.dma_semaphore, #tpu.memory_space<semaphore_mem>>) src(%dma_wait3A_242 : memref<4096x128xf32, #tpu.memory_space<hbm>>) dst(%dma_wait3A_236 : memref<128x128xf32, #tpu.memory_space<vmem>>)
    %add3A_243 = arith.constant 768 : i32
    %add3A_244 = arith.addi %mul3A_2, %add3A_243 : i32
    %dma_start3A_245 = arith.constant 0 : i32
    %dma_start3A_246 = arith.constant 0 : i32
    %dma_start3A_247 = tpu.memref_slice %arg6[%dma_start3A_245, %dma_start3A_246] : memref<768x128xf32, #tpu.memory_space<vmem>> -> memref<128x128xf32, #tpu.memory_space<vmem>>
    %dma_start3A_248 = arith.constant 0 : i32
    %dma_start3A_249 = tpu.memref_slice %arg4[%add3A_244, %dma_start3A_248] : memref<32768x128xf32, #tpu.memory_space<hbm>> -> memref<128x128xf32, #tpu.memory_space<hbm>>
    %dma_start3A_250 = arith.constant 0 : i32
    %dma_start3A_251 = tpu.memref_slice %arg4[%add3A_244, %dma_start3A_250] : memref<32768x128xf32, #tpu.memory_space<hbm>> -> memref<128x128xf32, #tpu.memory_space<hbm>>
    %dma_start3A_252 = arith.constant 0 : i32
    %dma_start3A_253 = arith.constant 0 : i32
    %dma_start3A_254 = tpu.memref_slice %arg6[%dma_start3A_252, %dma_start3A_253] : memref<768x128xf32, #tpu.memory_space<vmem>> -> memref<128x128xf32, #tpu.memory_space<vmem>>
    tpu.enqueue_dma source(%dma_start3A_254 : memref<128x128xf32, #tpu.memory_space<vmem>>) target(%dma_start3A_251 : memref<128x128xf32, #tpu.memory_space<hbm>>) target_semaphore(%arg8 : memref<!tpu.dma_semaphore, #tpu.memory_space<semaphore_mem>>)
    %dma_wait3A_255 = arith.constant 7 : i32
    %dma_wait3A_256 = arith.constant 128 : i32
    %dma_wait3A_257 = arith.constant 0 : i32
    %dma_wait3A_258 = tpu.memref_slice %arg6[%dma_wait3A_256, %dma_wait3A_257] : memref<768x128xf32, #tpu.memory_space<vmem>> -> memref<128x128xf32, #tpu.memory_space<vmem>>
    %dma_wait3A_259 = arith.constant 0 : i32
    %dma_wait3A_260 = tpu.memref_slice %arg5[%dma_wait3A_255, %dma_wait3A_259] : memref<8x128xi32, #tpu.memory_space<vmem>> -> memref<1x128xi32, #tpu.memory_space<vmem>>
    %dma_wait3A_261 = tpu.memref_squeeze %dma_wait3A_260 : memref<1x128xi32, #tpu.memory_space<vmem>> -> memref<128xi32, #tpu.memory_space<vmem>>
    %dma_wait3A_262 = arith.constant 0 : i32
    %dma_wait3A_263 = arith.constant 0 : i32
    %dma_wait3A_264 = tpu.memref_slice %arg2[%dma_wait3A_262, %dma_wait3A_263] : memref<4096x128xf32, #tpu.memory_space<hbm>> -> memref<4096x128xf32, #tpu.memory_space<hbm>>
    tpu.wait_indirect_dma semaphore(%arg7 : memref<!tpu.dma_semaphore, #tpu.memory_space<semaphore_mem>>) src(%dma_wait3A_264 : memref<4096x128xf32, #tpu.memory_space<hbm>>) dst(%dma_wait3A_258 : memref<128x128xf32, #tpu.memory_space<vmem>>)
    %add3A_265 = arith.constant 896 : i32
    %add3A_266 = arith.addi %mul3A_2, %add3A_265 : i32
    %dma_start3A_267 = arith.constant 128 : i32
    %dma_start3A_268 = arith.constant 0 : i32
    %dma_start3A_269 = tpu.memref_slice %arg6[%dma_start3A_267, %dma_start3A_268] : memref<768x128xf32, #tpu.memory_space<vmem>> -> memref<128x128xf32, #tpu.memory_space<vmem>>
    %dma_start3A_270 = arith.constant 0 : i32
    %dma_start3A_271 = tpu.memref_slice %arg4[%add3A_266, %dma_start3A_270] : memref<32768x128xf32, #tpu.memory_space<hbm>> -> memref<128x128xf32, #tpu.memory_space<hbm>>
    %dma_start3A_272 = arith.constant 0 : i32
    %dma_start3A_273 = tpu.memref_slice %arg4[%add3A_266, %dma_start3A_272] : memref<32768x128xf32, #tpu.memory_space<hbm>> -> memref<128x128xf32, #tpu.memory_space<hbm>>
    %dma_start3A_274 = arith.constant 128 : i32
    %dma_start3A_275 = arith.constant 0 : i32
    %dma_start3A_276 = tpu.memref_slice %arg6[%dma_start3A_274, %dma_start3A_275] : memref<768x128xf32, #tpu.memory_space<vmem>> -> memref<128x128xf32, #tpu.memory_space<vmem>>
    tpu.enqueue_dma source(%dma_start3A_276 : memref<128x128xf32, #tpu.memory_space<vmem>>) target(%dma_start3A_273 : memref<128x128xf32, #tpu.memory_space<hbm>>) target_semaphore(%arg8 : memref<!tpu.dma_semaphore, #tpu.memory_space<semaphore_mem>>)
    %dma_wait3A_277 = arith.constant 256 : i32
    %dma_wait3A_278 = arith.constant 0 : i32
    %dma_wait3A_279 = tpu.memref_slice %arg6[%dma_wait3A_277, %dma_wait3A_278] : memref<768x128xf32, #tpu.memory_space<vmem>> -> memref<128x128xf32, #tpu.memory_space<vmem>>
    %dma_wait3A_280 = arith.constant 0 : i32
    %dma_wait3A_281 = tpu.memref_slice %arg4[%add3A_156, %dma_wait3A_280] : memref<32768x128xf32, #tpu.memory_space<hbm>> -> memref<128x128xf32, #tpu.memory_space<hbm>>
    %dma_wait3A_282 = arith.constant 0 : i32
    %dma_wait3A_283 = tpu.memref_slice %arg4[%add3A_156, %dma_wait3A_282] : memref<32768x128xf32, #tpu.memory_space<hbm>> -> memref<128x128xf32, #tpu.memory_space<hbm>>
    %dma_wait3A_284 = arith.constant 256 : i32
    %dma_wait3A_285 = arith.constant 0 : i32
    %dma_wait3A_286 = tpu.memref_slice %arg6[%dma_wait3A_284, %dma_wait3A_285] : memref<768x128xf32, #tpu.memory_space<vmem>> -> memref<128x128xf32, #tpu.memory_space<vmem>>
    tpu.wait_dma2 semaphore(%arg8 : memref<!tpu.dma_semaphore, #tpu.memory_space<semaphore_mem>>) src(%dma_wait3A_286 : memref<128x128xf32, #tpu.memory_space<vmem>>) dst(%dma_wait3A_283 : memref<128x128xf32, #tpu.memory_space<hbm>>)
    %dma_wait3A_287 = arith.constant 384 : i32
    %dma_wait3A_288 = arith.constant 0 : i32
    %dma_wait3A_289 = tpu.memref_slice %arg6[%dma_wait3A_287, %dma_wait3A_288] : memref<768x128xf32, #tpu.memory_space<vmem>> -> memref<128x128xf32, #tpu.memory_space<vmem>>
    %dma_wait3A_290 = arith.constant 0 : i32
    %dma_wait3A_291 = tpu.memref_slice %arg4[%add3A_178, %dma_wait3A_290] : memref<32768x128xf32, #tpu.memory_space<hbm>> -> memref<128x128xf32, #tpu.memory_space<hbm>>
    %dma_wait3A_292 = arith.constant 0 : i32
    %dma_wait3A_293 = tpu.memref_slice %arg4[%add3A_178, %dma_wait3A_292] : memref<32768x128xf32, #tpu.memory_space<hbm>> -> memref<128x128xf32, #tpu.memory_space<hbm>>
    %dma_wait3A_294 = arith.constant 384 : i32
    %dma_wait3A_295 = arith.constant 0 : i32
    %dma_wait3A_296 = tpu.memref_slice %arg6[%dma_wait3A_294, %dma_wait3A_295] : memref<768x128xf32, #tpu.memory_space<vmem>> -> memref<128x128xf32, #tpu.memory_space<vmem>>
    tpu.wait_dma2 semaphore(%arg8 : memref<!tpu.dma_semaphore, #tpu.memory_space<semaphore_mem>>) src(%dma_wait3A_296 : memref<128x128xf32, #tpu.memory_space<vmem>>) dst(%dma_wait3A_293 : memref<128x128xf32, #tpu.memory_space<hbm>>)
    %dma_wait3A_297 = arith.constant 512 : i32
    %dma_wait3A_298 = arith.constant 0 : i32
    %dma_wait3A_299 = tpu.memref_slice %arg6[%dma_wait3A_297, %dma_wait3A_298] : memref<768x128xf32, #tpu.memory_space<vmem>> -> memref<128x128xf32, #tpu.memory_space<vmem>>
    %dma_wait3A_300 = arith.constant 0 : i32
    %dma_wait3A_301 = tpu.memref_slice %arg4[%add3A_200, %dma_wait3A_300] : memref<32768x128xf32, #tpu.memory_space<hbm>> -> memref<128x128xf32, #tpu.memory_space<hbm>>
    %dma_wait3A_302 = arith.constant 0 : i32
    %dma_wait3A_303 = tpu.memref_slice %arg4[%add3A_200, %dma_wait3A_302] : memref<32768x128xf32, #tpu.memory_space<hbm>> -> memref<128x128xf32, #tpu.memory_space<hbm>>
    %dma_wait3A_304 = arith.constant 512 : i32
    %dma_wait3A_305 = arith.constant 0 : i32
    %dma_wait3A_306 = tpu.memref_slice %arg6[%dma_wait3A_304, %dma_wait3A_305] : memref<768x128xf32, #tpu.memory_space<vmem>> -> memref<128x128xf32, #tpu.memory_space<vmem>>
    tpu.wait_dma2 semaphore(%arg8 : memref<!tpu.dma_semaphore, #tpu.memory_space<semaphore_mem>>) src(%dma_wait3A_306 : memref<128x128xf32, #tpu.memory_space<vmem>>) dst(%dma_wait3A_303 : memref<128x128xf32, #tpu.memory_space<hbm>>)
    %dma_wait3A_307 = arith.constant 640 : i32
    %dma_wait3A_308 = arith.constant 0 : i32
    %dma_wait3A_309 = tpu.memref_slice %arg6[%dma_wait3A_307, %dma_wait3A_308] : memref<768x128xf32, #tpu.memory_space<vmem>> -> memref<128x128xf32, #tpu.memory_space<vmem>>
    %dma_wait3A_310 = arith.constant 0 : i32
    %dma_wait3A_311 = tpu.memref_slice %arg4[%add3A_222, %dma_wait3A_310] : memref<32768x128xf32, #tpu.memory_space<hbm>> -> memref<128x128xf32, #tpu.memory_space<hbm>>
    %dma_wait3A_312 = arith.constant 0 : i32
    %dma_wait3A_313 = tpu.memref_slice %arg4[%add3A_222, %dma_wait3A_312] : memref<32768x128xf32, #tpu.memory_space<hbm>> -> memref<128x128xf32, #tpu.memory_space<hbm>>
    %dma_wait3A_314 = arith.constant 640 : i32
    %dma_wait3A_315 = arith.constant 0 : i32
    %dma_wait3A_316 = tpu.memref_slice %arg6[%dma_wait3A_314, %dma_wait3A_315] : memref<768x128xf32, #tpu.memory_space<vmem>> -> memref<128x128xf32, #tpu.memory_space<vmem>>
    tpu.wait_dma2 semaphore(%arg8 : memref<!tpu.dma_semaphore, #tpu.memory_space<semaphore_mem>>) src(%dma_wait3A_316 : memref<128x128xf32, #tpu.memory_space<vmem>>) dst(%dma_wait3A_313 : memref<128x128xf32, #tpu.memory_space<hbm>>)
    %dma_wait3A_317 = arith.constant 0 : i32
    %dma_wait3A_318 = arith.constant 0 : i32
    %dma_wait3A_319 = tpu.memref_slice %arg6[%dma_wait3A_317, %dma_wait3A_318] : memref<768x128xf32, #tpu.memory_space<vmem>> -> memref<128x128xf32, #tpu.memory_space<vmem>>
    %dma_wait3A_320 = arith.constant 0 : i32
    %dma_wait3A_321 = tpu.memref_slice %arg4[%add3A_244, %dma_wait3A_320] : memref<32768x128xf32, #tpu.memory_space<hbm>> -> memref<128x128xf32, #tpu.memory_space<hbm>>
    %dma_wait3A_322 = arith.constant 0 : i32
    %dma_wait3A_323 = tpu.memref_slice %arg4[%add3A_244, %dma_wait3A_322] : memref<32768x128xf32, #tpu.memory_space<hbm>> -> memref<128x128xf32, #tpu.memory_space<hbm>>
    %dma_wait3A_324 = arith.constant 0 : i32
    %dma_wait3A_325 = arith.constant 0 : i32
    %dma_wait3A_326 = tpu.memref_slice %arg6[%dma_wait3A_324, %dma_wait3A_325] : memref<768x128xf32, #tpu.memory_space<vmem>> -> memref<128x128xf32, #tpu.memory_space<vmem>>
    tpu.wait_dma2 semaphore(%arg8 : memref<!tpu.dma_semaphore, #tpu.memory_space<semaphore_mem>>) src(%dma_wait3A_326 : memref<128x128xf32, #tpu.memory_space<vmem>>) dst(%dma_wait3A_323 : memref<128x128xf32, #tpu.memory_space<hbm>>)
    %dma_wait3A_327 = arith.constant 128 : i32
    %dma_wait3A_328 = arith.constant 0 : i32
    %dma_wait3A_329 = tpu.memref_slice %arg6[%dma_wait3A_327, %dma_wait3A_328] : memref<768x128xf32, #tpu.memory_space<vmem>> -> memref<128x128xf32, #tpu.memory_space<vmem>>
    %dma_wait3A_330 = arith.constant 0 : i32
    %dma_wait3A_331 = tpu.memref_slice %arg4[%add3A_266, %dma_wait3A_330] : memref<32768x128xf32, #tpu.memory_space<hbm>> -> memref<128x128xf32, #tpu.memory_space<hbm>>
    %dma_wait3A_332 = arith.constant 0 : i32
    %dma_wait3A_333 = tpu.memref_slice %arg4[%add3A_266, %dma_wait3A_332] : memref<32768x128xf32, #tpu.memory_space<hbm>> -> memref<128x128xf32, #tpu.memory_space<hbm>>
    %dma_wait3A_334 = arith.constant 128 : i32
    %dma_wait3A_335 = arith.constant 0 : i32
    %dma_wait3A_336 = tpu.memref_slice %arg6[%dma_wait3A_334, %dma_wait3A_335] : memref<768x128xf32, #tpu.memory_space<vmem>> -> memref<128x128xf32, #tpu.memory_space<vmem>>
    tpu.wait_dma2 semaphore(%arg8 : memref<!tpu.dma_semaphore, #tpu.memory_space<semaphore_mem>>) src(%dma_wait3A_336 : memref<128x128xf32, #tpu.memory_space<vmem>>) dst(%dma_wait3A_333 : memref<128x128xf32, #tpu.memory_space<hbm>>)
    return
  }
}

#map = affine_map<(d0, d1) -> (0, 0)>
#map1 = affine_map<(d0, d1) -> (0, 0, 0)>
module attributes {stable_mosaic.version = 14 : i64} {
  func.func @k(%arg0: i32, %arg1: i32, %arg2: memref<32768x128xf32, #tpu.memory_space<hbm>>, %arg3: memref<32x8x128xi32, #tpu.memory_space<hbm>>, %arg4: memref<4096x128xf32, #tpu.memory_space<hbm>>, %arg5: memref<2x4096x128xf32, #tpu.memory_space<hbm>>, %arg6: memref<8x128xi32, #tpu.memory_space<vmem>>, %arg7: memref<2x256x128xf32, #tpu.memory_space<vmem>>, %arg8: memref<4096x128xf32, #tpu.memory_space<vmem_shared>>, %arg9: memref<!tpu.dma_semaphore, #tpu.memory_space<semaphore_mem>>) attributes {dimension_semantics = [#tpu.dimension_semantics<core_parallel>, #tpu.dimension_semantics<subcore_parallel>], iteration_bounds = array<i64: 2, 16>, scalar_prefetch = 0 : i64, scratch_operands = 4 : i64, tpu.core_type = #tpu.core_type<sc_vector_subcore>, window_params = [{transform_indices = #map}, {transform_indices = #map1}, {transform_indices = #map}, {transform_indices = #map1}]} {
    %mul3A = arith.constant 16 : i32
    %mul3A_0 = arith.muli %arg0, %mul3A : i32
    %add3A = arith.addi %mul3A_0, %arg1 : i32
    %mul3A_1 = arith.constant 1024 : i32
    %mul3A_2 = arith.muli %add3A, %mul3A_1 : i32
    %dma_start3A = arith.constant 0 : i32
    %dma_start3A_3 = arith.constant 0 : i32
    %dma_start3A_4 = arith.constant 0 : i32
    %dma_start3A_5 = tpu.memref_slice %arg7[%dma_start3A, %dma_start3A_3, %dma_start3A_4] : memref<2x256x128xf32, #tpu.memory_space<vmem>> -> memref<1x256x128xf32, #tpu.memory_space<vmem>>
    %dma_start3A_6 = tpu.memref_squeeze %dma_start3A_5 : memref<1x256x128xf32, #tpu.memory_space<vmem>> -> memref<256x128xf32, #tpu.memory_space<vmem>>
    %dma_start3A_7 = arith.constant 0 : i32
    %dma_start3A_8 = tpu.memref_slice %arg2[%mul3A_2, %dma_start3A_7] : memref<32768x128xf32, #tpu.memory_space<hbm>> -> memref<256x128xf32, #tpu.memory_space<hbm>>
    %dma_start3A_9 = arith.constant 0 : i32
    %dma_start3A_10 = arith.constant 0 : i32
    %dma_start3A_11 = tpu.memref_slice %arg7[%dma_start3A, %dma_start3A_9, %dma_start3A_10] : memref<2x256x128xf32, #tpu.memory_space<vmem>> -> memref<1x256x128xf32, #tpu.memory_space<vmem>>
    %dma_start3A_12 = tpu.memref_squeeze %dma_start3A_11 : memref<1x256x128xf32, #tpu.memory_space<vmem>> -> memref<256x128xf32, #tpu.memory_space<vmem>>
    %dma_start3A_13 = arith.constant 0 : i32
    %dma_start3A_14 = tpu.memref_slice %arg2[%mul3A_2, %dma_start3A_13] : memref<32768x128xf32, #tpu.memory_space<hbm>> -> memref<256x128xf32, #tpu.memory_space<hbm>>
    tpu.enqueue_dma source(%dma_start3A_14 : memref<256x128xf32, #tpu.memory_space<hbm>>) target(%dma_start3A_12 : memref<256x128xf32, #tpu.memory_space<vmem>>) target_semaphore(%arg9 : memref<!tpu.dma_semaphore, #tpu.memory_space<semaphore_mem>>)
    "tpu.region"() ({
      %run_scoped3A_135 = tpu.sem_alloc : memref<!tpu.dma_semaphore, #tpu.memory_space<semaphore_mem>>
      %dma_start3A_136 = arith.constant 0 : i32
      %dma_start3A_137 = arith.constant 0 : i32
      %dma_start3A_138 = tpu.memref_slice %arg3[%add3A, %dma_start3A_136, %dma_start3A_137] : memref<32x8x128xi32, #tpu.memory_space<hbm>> -> memref<1x8x128xi32, #tpu.memory_space<hbm>>
      %dma_start3A_139 = tpu.memref_squeeze %dma_start3A_138 : memref<1x8x128xi32, #tpu.memory_space<hbm>> -> memref<8x128xi32, #tpu.memory_space<hbm>>
      %dma_start3A_140 = arith.constant 0 : i32
      %dma_start3A_141 = arith.constant 0 : i32
      %dma_start3A_142 = tpu.memref_slice %arg3[%add3A, %dma_start3A_140, %dma_start3A_141] : memref<32x8x128xi32, #tpu.memory_space<hbm>> -> memref<1x8x128xi32, #tpu.memory_space<hbm>>
      %dma_start3A_143 = tpu.memref_squeeze %dma_start3A_142 : memref<1x8x128xi32, #tpu.memory_space<hbm>> -> memref<8x128xi32, #tpu.memory_space<hbm>>
      tpu.enqueue_dma source(%dma_start3A_143 : memref<8x128xi32, #tpu.memory_space<hbm>>) target(%arg6 : memref<8x128xi32, #tpu.memory_space<vmem>>) target_semaphore(%run_scoped3A_135 : memref<!tpu.dma_semaphore, #tpu.memory_space<semaphore_mem>>)
      %dma_wait3A_144 = arith.constant 0 : i32
      %dma_wait3A_145 = arith.constant 0 : i32
      %dma_wait3A_146 = tpu.memref_slice %arg3[%add3A, %dma_wait3A_144, %dma_wait3A_145] : memref<32x8x128xi32, #tpu.memory_space<hbm>> -> memref<1x8x128xi32, #tpu.memory_space<hbm>>
      %dma_wait3A_147 = tpu.memref_squeeze %dma_wait3A_146 : memref<1x8x128xi32, #tpu.memory_space<hbm>> -> memref<8x128xi32, #tpu.memory_space<hbm>>
      %dma_wait3A_148 = arith.constant 0 : i32
      %dma_wait3A_149 = arith.constant 0 : i32
      %dma_wait3A_150 = tpu.memref_slice %arg3[%add3A, %dma_wait3A_148, %dma_wait3A_149] : memref<32x8x128xi32, #tpu.memory_space<hbm>> -> memref<1x8x128xi32, #tpu.memory_space<hbm>>
      %dma_wait3A_151 = tpu.memref_squeeze %dma_wait3A_150 : memref<1x8x128xi32, #tpu.memory_space<hbm>> -> memref<8x128xi32, #tpu.memory_space<hbm>>
      tpu.wait_dma2 semaphore(%run_scoped3A_135 : memref<!tpu.dma_semaphore, #tpu.memory_space<semaphore_mem>>) src(%dma_wait3A_151 : memref<8x128xi32, #tpu.memory_space<hbm>>) dst(%arg6 : memref<8x128xi32, #tpu.memory_space<vmem>>)
      tpu.yield
    }) : () -> ()
    %mul3A_15 = arith.constant 256 : i32
    %mul3A_16 = arith.muli %arg1, %mul3A_15 : i32
    %mul3A_17 = arith.constant 256 : i32
    %mul3A_18 = arith.muli %arg1, %mul3A_17 : i32
    "tpu.region"() ({
      %run_scoped3A_135 = tpu.sem_alloc : memref<!tpu.dma_semaphore, #tpu.memory_space<semaphore_mem>>
      %dma_start3A_136 = arith.constant 0 : i32
      %dma_start3A_137 = tpu.memref_slice %arg8[%mul3A_18, %dma_start3A_136] : memref<4096x128xf32, #tpu.memory_space<vmem_shared>> -> memref<256x128xf32, #tpu.memory_space<vmem_shared>>
      %dma_start3A_138 = arith.constant 0 : i32
      %dma_start3A_139 = tpu.memref_slice %arg4[%mul3A_16, %dma_start3A_138] : memref<4096x128xf32, #tpu.memory_space<hbm>> -> memref<256x128xf32, #tpu.memory_space<hbm>>
      tpu.enqueue_dma source(%dma_start3A_139 : memref<256x128xf32, #tpu.memory_space<hbm>>) target(%dma_start3A_137 : memref<256x128xf32, #tpu.memory_space<vmem_shared>>) target_semaphore(%run_scoped3A_135 : memref<!tpu.dma_semaphore, #tpu.memory_space<semaphore_mem>>)
      %dma_wait3A_140 = arith.constant 0 : i32
      %dma_wait3A_141 = tpu.memref_slice %arg8[%mul3A_18, %dma_wait3A_140] : memref<4096x128xf32, #tpu.memory_space<vmem_shared>> -> memref<256x128xf32, #tpu.memory_space<vmem_shared>>
      %dma_wait3A_142 = arith.constant 0 : i32
      %dma_wait3A_143 = tpu.memref_slice %arg4[%mul3A_16, %dma_wait3A_142] : memref<4096x128xf32, #tpu.memory_space<hbm>> -> memref<256x128xf32, #tpu.memory_space<hbm>>
      tpu.wait_dma2 semaphore(%run_scoped3A_135 : memref<!tpu.dma_semaphore, #tpu.memory_space<semaphore_mem>>) src(%dma_wait3A_143 : memref<256x128xf32, #tpu.memory_space<hbm>>) dst(%dma_wait3A_141 : memref<256x128xf32, #tpu.memory_space<vmem_shared>>)
      tpu.yield
    }) : () -> ()
    %barrier3A = arith.constant 0 : index
    tpu.barrier barrier_id(%barrier3A)
    %dma_wait3A = arith.constant 0 : i32
    %dma_wait3A_19 = arith.constant 0 : i32
    %dma_wait3A_20 = arith.constant 0 : i32
    %dma_wait3A_21 = tpu.memref_slice %arg7[%dma_wait3A, %dma_wait3A_19, %dma_wait3A_20] : memref<2x256x128xf32, #tpu.memory_space<vmem>> -> memref<1x256x128xf32, #tpu.memory_space<vmem>>
    %dma_wait3A_22 = tpu.memref_squeeze %dma_wait3A_21 : memref<1x256x128xf32, #tpu.memory_space<vmem>> -> memref<256x128xf32, #tpu.memory_space<vmem>>
    %dma_wait3A_23 = arith.constant 0 : i32
    %dma_wait3A_24 = tpu.memref_slice %arg2[%mul3A_2, %dma_wait3A_23] : memref<32768x128xf32, #tpu.memory_space<hbm>> -> memref<256x128xf32, #tpu.memory_space<hbm>>
    %dma_wait3A_25 = arith.constant 0 : i32
    %dma_wait3A_26 = arith.constant 0 : i32
    %dma_wait3A_27 = tpu.memref_slice %arg7[%dma_wait3A, %dma_wait3A_25, %dma_wait3A_26] : memref<2x256x128xf32, #tpu.memory_space<vmem>> -> memref<1x256x128xf32, #tpu.memory_space<vmem>>
    %dma_wait3A_28 = tpu.memref_squeeze %dma_wait3A_27 : memref<1x256x128xf32, #tpu.memory_space<vmem>> -> memref<256x128xf32, #tpu.memory_space<vmem>>
    %dma_wait3A_29 = arith.constant 0 : i32
    %dma_wait3A_30 = tpu.memref_slice %arg2[%mul3A_2, %dma_wait3A_29] : memref<32768x128xf32, #tpu.memory_space<hbm>> -> memref<256x128xf32, #tpu.memory_space<hbm>>
    tpu.wait_dma2 semaphore(%arg9 : memref<!tpu.dma_semaphore, #tpu.memory_space<semaphore_mem>>) src(%dma_wait3A_30 : memref<256x128xf32, #tpu.memory_space<hbm>>) dst(%dma_wait3A_28 : memref<256x128xf32, #tpu.memory_space<vmem>>)
    %add3A_31 = arith.constant 256 : i32
    %add3A_32 = arith.addi %mul3A_2, %add3A_31 : i32
    %dma_start3A_33 = arith.constant 1 : i32
    %dma_start3A_34 = arith.constant 0 : i32
    %dma_start3A_35 = arith.constant 0 : i32
    %dma_start3A_36 = tpu.memref_slice %arg7[%dma_start3A_33, %dma_start3A_34, %dma_start3A_35] : memref<2x256x128xf32, #tpu.memory_space<vmem>> -> memref<1x256x128xf32, #tpu.memory_space<vmem>>
    %dma_start3A_37 = tpu.memref_squeeze %dma_start3A_36 : memref<1x256x128xf32, #tpu.memory_space<vmem>> -> memref<256x128xf32, #tpu.memory_space<vmem>>
    %dma_start3A_38 = arith.constant 0 : i32
    %dma_start3A_39 = tpu.memref_slice %arg2[%add3A_32, %dma_start3A_38] : memref<32768x128xf32, #tpu.memory_space<hbm>> -> memref<256x128xf32, #tpu.memory_space<hbm>>
    %dma_start3A_40 = arith.constant 0 : i32
    %dma_start3A_41 = arith.constant 0 : i32
    %dma_start3A_42 = tpu.memref_slice %arg7[%dma_start3A_33, %dma_start3A_40, %dma_start3A_41] : memref<2x256x128xf32, #tpu.memory_space<vmem>> -> memref<1x256x128xf32, #tpu.memory_space<vmem>>
    %dma_start3A_43 = tpu.memref_squeeze %dma_start3A_42 : memref<1x256x128xf32, #tpu.memory_space<vmem>> -> memref<256x128xf32, #tpu.memory_space<vmem>>
    %dma_start3A_44 = arith.constant 0 : i32
    %dma_start3A_45 = tpu.memref_slice %arg2[%add3A_32, %dma_start3A_44] : memref<32768x128xf32, #tpu.memory_space<hbm>> -> memref<256x128xf32, #tpu.memory_space<hbm>>
    tpu.enqueue_dma source(%dma_start3A_45 : memref<256x128xf32, #tpu.memory_space<hbm>>) target(%dma_start3A_43 : memref<256x128xf32, #tpu.memory_space<vmem>>) target_semaphore(%arg9 : memref<!tpu.dma_semaphore, #tpu.memory_space<semaphore_mem>>)
    %run_scoped3A = arith.constant 0 : i32
    %run_scoped3A_46 = arith.constant 0 : i32
    "tpu.region"() ({
      %run_scoped3A_135 = tpu.sem_alloc : memref<!tpu.dma_semaphore, #tpu.memory_space<semaphore_mem>>
      %dma_start3A_136 = arith.constant 0 : i32
      %dma_start3A_137 = arith.constant 0 : i32
      %dma_start3A_138 = tpu.memref_slice %arg7[%run_scoped3A, %dma_start3A_136, %dma_start3A_137] : memref<2x256x128xf32, #tpu.memory_space<vmem>> -> memref<1x256x128xf32, #tpu.memory_space<vmem>>
      %dma_start3A_139 = tpu.memref_squeeze %dma_start3A_138 : memref<1x256x128xf32, #tpu.memory_space<vmem>> -> memref<256x128xf32, #tpu.memory_space<vmem>>
      %dma_start3A_140 = arith.constant 0 : i32
      %dma_start3A_141 = arith.constant 0 : i32
      %dma_start3A_142 = tpu.memref_slice %dma_start3A_139[%dma_start3A_140, %dma_start3A_141] : memref<256x128xf32, #tpu.memory_space<vmem>> -> memref<128x128xf32, #tpu.memory_space<vmem>>
      %dma_start3A_143 = arith.constant 0 : i32
      %dma_start3A_144 = tpu.memref_slice %arg6[%run_scoped3A_46, %dma_start3A_143] : memref<8x128xi32, #tpu.memory_space<vmem>> -> memref<1x128xi32, #tpu.memory_space<vmem>>
      %dma_start3A_145 = tpu.memref_squeeze %dma_start3A_144 : memref<1x128xi32, #tpu.memory_space<vmem>> -> memref<128xi32, #tpu.memory_space<vmem>>
      %dma_start3A_146 = arith.constant 0 : i32
      %dma_start3A_147 = arith.constant 0 : i32
      %dma_start3A_148 = tpu.memref_slice %arg8[%dma_start3A_146, %dma_start3A_147] : memref<4096x128xf32, #tpu.memory_space<vmem_shared>> -> memref<4096x128xf32, #tpu.memory_space<vmem_shared>>
      tpu.enqueue_indirect_dma source(%dma_start3A_142 : memref<128x128xf32, #tpu.memory_space<vmem>>) target(%dma_start3A_148 : memref<4096x128xf32, #tpu.memory_space<vmem_shared>>) offsets(%dma_start3A_145 : memref<128xi32, #tpu.memory_space<vmem>>) semaphore(%run_scoped3A_135 : memref<!tpu.dma_semaphore, #tpu.memory_space<semaphore_mem>>) {add = true}
      %dma_wait3A_149 = arith.constant 0 : i32
      %dma_wait3A_150 = arith.constant 0 : i32
      %dma_wait3A_151 = tpu.memref_slice %arg7[%run_scoped3A, %dma_wait3A_149, %dma_wait3A_150] : memref<2x256x128xf32, #tpu.memory_space<vmem>> -> memref<1x256x128xf32, #tpu.memory_space<vmem>>
      %dma_wait3A_152 = tpu.memref_squeeze %dma_wait3A_151 : memref<1x256x128xf32, #tpu.memory_space<vmem>> -> memref<256x128xf32, #tpu.memory_space<vmem>>
      %dma_wait3A_153 = arith.constant 0 : i32
      %dma_wait3A_154 = arith.constant 0 : i32
      %dma_wait3A_155 = tpu.memref_slice %dma_wait3A_152[%dma_wait3A_153, %dma_wait3A_154] : memref<256x128xf32, #tpu.memory_space<vmem>> -> memref<128x128xf32, #tpu.memory_space<vmem>>
      %dma_wait3A_156 = arith.constant 0 : i32
      %dma_wait3A_157 = tpu.memref_slice %arg6[%run_scoped3A_46, %dma_wait3A_156] : memref<8x128xi32, #tpu.memory_space<vmem>> -> memref<1x128xi32, #tpu.memory_space<vmem>>
      %dma_wait3A_158 = tpu.memref_squeeze %dma_wait3A_157 : memref<1x128xi32, #tpu.memory_space<vmem>> -> memref<128xi32, #tpu.memory_space<vmem>>
      %dma_wait3A_159 = arith.constant 0 : i32
      %dma_wait3A_160 = arith.constant 0 : i32
      %dma_wait3A_161 = tpu.memref_slice %arg8[%dma_wait3A_159, %dma_wait3A_160] : memref<4096x128xf32, #tpu.memory_space<vmem_shared>> -> memref<4096x128xf32, #tpu.memory_space<vmem_shared>>
      tpu.wait_indirect_dma semaphore(%run_scoped3A_135 : memref<!tpu.dma_semaphore, #tpu.memory_space<semaphore_mem>>) src(%dma_wait3A_155 : memref<128x128xf32, #tpu.memory_space<vmem>>) dst(%dma_wait3A_161 : memref<4096x128xf32, #tpu.memory_space<vmem_shared>>)
      tpu.yield
    }) : () -> ()
    %run_scoped3A_47 = arith.constant 0 : i32
    %run_scoped3A_48 = arith.constant 1 : i32
    "tpu.region"() ({
      %run_scoped3A_135 = tpu.sem_alloc : memref<!tpu.dma_semaphore, #tpu.memory_space<semaphore_mem>>
      %dma_start3A_136 = arith.constant 0 : i32
      %dma_start3A_137 = arith.constant 0 : i32
      %dma_start3A_138 = tpu.memref_slice %arg7[%run_scoped3A_47, %dma_start3A_136, %dma_start3A_137] : memref<2x256x128xf32, #tpu.memory_space<vmem>> -> memref<1x256x128xf32, #tpu.memory_space<vmem>>
      %dma_start3A_139 = tpu.memref_squeeze %dma_start3A_138 : memref<1x256x128xf32, #tpu.memory_space<vmem>> -> memref<256x128xf32, #tpu.memory_space<vmem>>
      %dma_start3A_140 = arith.constant 128 : i32
      %dma_start3A_141 = arith.constant 0 : i32
      %dma_start3A_142 = tpu.memref_slice %dma_start3A_139[%dma_start3A_140, %dma_start3A_141] : memref<256x128xf32, #tpu.memory_space<vmem>> -> memref<128x128xf32, #tpu.memory_space<vmem>>
      %dma_start3A_143 = arith.constant 0 : i32
      %dma_start3A_144 = tpu.memref_slice %arg6[%run_scoped3A_48, %dma_start3A_143] : memref<8x128xi32, #tpu.memory_space<vmem>> -> memref<1x128xi32, #tpu.memory_space<vmem>>
      %dma_start3A_145 = tpu.memref_squeeze %dma_start3A_144 : memref<1x128xi32, #tpu.memory_space<vmem>> -> memref<128xi32, #tpu.memory_space<vmem>>
      %dma_start3A_146 = arith.constant 0 : i32
      %dma_start3A_147 = arith.constant 0 : i32
      %dma_start3A_148 = tpu.memref_slice %arg8[%dma_start3A_146, %dma_start3A_147] : memref<4096x128xf32, #tpu.memory_space<vmem_shared>> -> memref<4096x128xf32, #tpu.memory_space<vmem_shared>>
      tpu.enqueue_indirect_dma source(%dma_start3A_142 : memref<128x128xf32, #tpu.memory_space<vmem>>) target(%dma_start3A_148 : memref<4096x128xf32, #tpu.memory_space<vmem_shared>>) offsets(%dma_start3A_145 : memref<128xi32, #tpu.memory_space<vmem>>) semaphore(%run_scoped3A_135 : memref<!tpu.dma_semaphore, #tpu.memory_space<semaphore_mem>>) {add = true}
      %dma_wait3A_149 = arith.constant 0 : i32
      %dma_wait3A_150 = arith.constant 0 : i32
      %dma_wait3A_151 = tpu.memref_slice %arg7[%run_scoped3A_47, %dma_wait3A_149, %dma_wait3A_150] : memref<2x256x128xf32, #tpu.memory_space<vmem>> -> memref<1x256x128xf32, #tpu.memory_space<vmem>>
      %dma_wait3A_152 = tpu.memref_squeeze %dma_wait3A_151 : memref<1x256x128xf32, #tpu.memory_space<vmem>> -> memref<256x128xf32, #tpu.memory_space<vmem>>
      %dma_wait3A_153 = arith.constant 128 : i32
      %dma_wait3A_154 = arith.constant 0 : i32
      %dma_wait3A_155 = tpu.memref_slice %dma_wait3A_152[%dma_wait3A_153, %dma_wait3A_154] : memref<256x128xf32, #tpu.memory_space<vmem>> -> memref<128x128xf32, #tpu.memory_space<vmem>>
      %dma_wait3A_156 = arith.constant 0 : i32
      %dma_wait3A_157 = tpu.memref_slice %arg6[%run_scoped3A_48, %dma_wait3A_156] : memref<8x128xi32, #tpu.memory_space<vmem>> -> memref<1x128xi32, #tpu.memory_space<vmem>>
      %dma_wait3A_158 = tpu.memref_squeeze %dma_wait3A_157 : memref<1x128xi32, #tpu.memory_space<vmem>> -> memref<128xi32, #tpu.memory_space<vmem>>
      %dma_wait3A_159 = arith.constant 0 : i32
      %dma_wait3A_160 = arith.constant 0 : i32
      %dma_wait3A_161 = tpu.memref_slice %arg8[%dma_wait3A_159, %dma_wait3A_160] : memref<4096x128xf32, #tpu.memory_space<vmem_shared>> -> memref<4096x128xf32, #tpu.memory_space<vmem_shared>>
      tpu.wait_indirect_dma semaphore(%run_scoped3A_135 : memref<!tpu.dma_semaphore, #tpu.memory_space<semaphore_mem>>) src(%dma_wait3A_155 : memref<128x128xf32, #tpu.memory_space<vmem>>) dst(%dma_wait3A_161 : memref<4096x128xf32, #tpu.memory_space<vmem_shared>>)
      tpu.yield
    }) : () -> ()
    %dma_wait3A_49 = arith.constant 1 : i32
    %dma_wait3A_50 = arith.constant 0 : i32
    %dma_wait3A_51 = arith.constant 0 : i32
    %dma_wait3A_52 = tpu.memref_slice %arg7[%dma_wait3A_49, %dma_wait3A_50, %dma_wait3A_51] : memref<2x256x128xf32, #tpu.memory_space<vmem>> -> memref<1x256x128xf32, #tpu.memory_space<vmem>>
    %dma_wait3A_53 = tpu.memref_squeeze %dma_wait3A_52 : memref<1x256x128xf32, #tpu.memory_space<vmem>> -> memref<256x128xf32, #tpu.memory_space<vmem>>
    %dma_wait3A_54 = arith.constant 0 : i32
    %dma_wait3A_55 = tpu.memref_slice %arg2[%add3A_32, %dma_wait3A_54] : memref<32768x128xf32, #tpu.memory_space<hbm>> -> memref<256x128xf32, #tpu.memory_space<hbm>>
    %dma_wait3A_56 = arith.constant 0 : i32
    %dma_wait3A_57 = arith.constant 0 : i32
    %dma_wait3A_58 = tpu.memref_slice %arg7[%dma_wait3A_49, %dma_wait3A_56, %dma_wait3A_57] : memref<2x256x128xf32, #tpu.memory_space<vmem>> -> memref<1x256x128xf32, #tpu.memory_space<vmem>>
    %dma_wait3A_59 = tpu.memref_squeeze %dma_wait3A_58 : memref<1x256x128xf32, #tpu.memory_space<vmem>> -> memref<256x128xf32, #tpu.memory_space<vmem>>
    %dma_wait3A_60 = arith.constant 0 : i32
    %dma_wait3A_61 = tpu.memref_slice %arg2[%add3A_32, %dma_wait3A_60] : memref<32768x128xf32, #tpu.memory_space<hbm>> -> memref<256x128xf32, #tpu.memory_space<hbm>>
    tpu.wait_dma2 semaphore(%arg9 : memref<!tpu.dma_semaphore, #tpu.memory_space<semaphore_mem>>) src(%dma_wait3A_61 : memref<256x128xf32, #tpu.memory_space<hbm>>) dst(%dma_wait3A_59 : memref<256x128xf32, #tpu.memory_space<vmem>>)
    %add3A_62 = arith.constant 512 : i32
    %add3A_63 = arith.addi %mul3A_2, %add3A_62 : i32
    %dma_start3A_64 = arith.constant 0 : i32
    %dma_start3A_65 = arith.constant 0 : i32
    %dma_start3A_66 = arith.constant 0 : i32
    %dma_start3A_67 = tpu.memref_slice %arg7[%dma_start3A_64, %dma_start3A_65, %dma_start3A_66] : memref<2x256x128xf32, #tpu.memory_space<vmem>> -> memref<1x256x128xf32, #tpu.memory_space<vmem>>
    %dma_start3A_68 = tpu.memref_squeeze %dma_start3A_67 : memref<1x256x128xf32, #tpu.memory_space<vmem>> -> memref<256x128xf32, #tpu.memory_space<vmem>>
    %dma_start3A_69 = arith.constant 0 : i32
    %dma_start3A_70 = tpu.memref_slice %arg2[%add3A_63, %dma_start3A_69] : memref<32768x128xf32, #tpu.memory_space<hbm>> -> memref<256x128xf32, #tpu.memory_space<hbm>>
    %dma_start3A_71 = arith.constant 0 : i32
    %dma_start3A_72 = arith.constant 0 : i32
    %dma_start3A_73 = tpu.memref_slice %arg7[%dma_start3A_64, %dma_start3A_71, %dma_start3A_72] : memref<2x256x128xf32, #tpu.memory_space<vmem>> -> memref<1x256x128xf32, #tpu.memory_space<vmem>>
    %dma_start3A_74 = tpu.memref_squeeze %dma_start3A_73 : memref<1x256x128xf32, #tpu.memory_space<vmem>> -> memref<256x128xf32, #tpu.memory_space<vmem>>
    %dma_start3A_75 = arith.constant 0 : i32
    %dma_start3A_76 = tpu.memref_slice %arg2[%add3A_63, %dma_start3A_75] : memref<32768x128xf32, #tpu.memory_space<hbm>> -> memref<256x128xf32, #tpu.memory_space<hbm>>
    tpu.enqueue_dma source(%dma_start3A_76 : memref<256x128xf32, #tpu.memory_space<hbm>>) target(%dma_start3A_74 : memref<256x128xf32, #tpu.memory_space<vmem>>) target_semaphore(%arg9 : memref<!tpu.dma_semaphore, #tpu.memory_space<semaphore_mem>>)
    %run_scoped3A_77 = arith.constant 1 : i32
    %run_scoped3A_78 = arith.constant 2 : i32
    "tpu.region"() ({
      %run_scoped3A_135 = tpu.sem_alloc : memref<!tpu.dma_semaphore, #tpu.memory_space<semaphore_mem>>
      %dma_start3A_136 = arith.constant 0 : i32
      %dma_start3A_137 = arith.constant 0 : i32
      %dma_start3A_138 = tpu.memref_slice %arg7[%run_scoped3A_77, %dma_start3A_136, %dma_start3A_137] : memref<2x256x128xf32, #tpu.memory_space<vmem>> -> memref<1x256x128xf32, #tpu.memory_space<vmem>>
      %dma_start3A_139 = tpu.memref_squeeze %dma_start3A_138 : memref<1x256x128xf32, #tpu.memory_space<vmem>> -> memref<256x128xf32, #tpu.memory_space<vmem>>
      %dma_start3A_140 = arith.constant 0 : i32
      %dma_start3A_141 = arith.constant 0 : i32
      %dma_start3A_142 = tpu.memref_slice %dma_start3A_139[%dma_start3A_140, %dma_start3A_141] : memref<256x128xf32, #tpu.memory_space<vmem>> -> memref<128x128xf32, #tpu.memory_space<vmem>>
      %dma_start3A_143 = arith.constant 0 : i32
      %dma_start3A_144 = tpu.memref_slice %arg6[%run_scoped3A_78, %dma_start3A_143] : memref<8x128xi32, #tpu.memory_space<vmem>> -> memref<1x128xi32, #tpu.memory_space<vmem>>
      %dma_start3A_145 = tpu.memref_squeeze %dma_start3A_144 : memref<1x128xi32, #tpu.memory_space<vmem>> -> memref<128xi32, #tpu.memory_space<vmem>>
      %dma_start3A_146 = arith.constant 0 : i32
      %dma_start3A_147 = arith.constant 0 : i32
      %dma_start3A_148 = tpu.memref_slice %arg8[%dma_start3A_146, %dma_start3A_147] : memref<4096x128xf32, #tpu.memory_space<vmem_shared>> -> memref<4096x128xf32, #tpu.memory_space<vmem_shared>>
      tpu.enqueue_indirect_dma source(%dma_start3A_142 : memref<128x128xf32, #tpu.memory_space<vmem>>) target(%dma_start3A_148 : memref<4096x128xf32, #tpu.memory_space<vmem_shared>>) offsets(%dma_start3A_145 : memref<128xi32, #tpu.memory_space<vmem>>) semaphore(%run_scoped3A_135 : memref<!tpu.dma_semaphore, #tpu.memory_space<semaphore_mem>>) {add = true}
      %dma_wait3A_149 = arith.constant 0 : i32
      %dma_wait3A_150 = arith.constant 0 : i32
      %dma_wait3A_151 = tpu.memref_slice %arg7[%run_scoped3A_77, %dma_wait3A_149, %dma_wait3A_150] : memref<2x256x128xf32, #tpu.memory_space<vmem>> -> memref<1x256x128xf32, #tpu.memory_space<vmem>>
      %dma_wait3A_152 = tpu.memref_squeeze %dma_wait3A_151 : memref<1x256x128xf32, #tpu.memory_space<vmem>> -> memref<256x128xf32, #tpu.memory_space<vmem>>
      %dma_wait3A_153 = arith.constant 0 : i32
      %dma_wait3A_154 = arith.constant 0 : i32
      %dma_wait3A_155 = tpu.memref_slice %dma_wait3A_152[%dma_wait3A_153, %dma_wait3A_154] : memref<256x128xf32, #tpu.memory_space<vmem>> -> memref<128x128xf32, #tpu.memory_space<vmem>>
      %dma_wait3A_156 = arith.constant 0 : i32
      %dma_wait3A_157 = tpu.memref_slice %arg6[%run_scoped3A_78, %dma_wait3A_156] : memref<8x128xi32, #tpu.memory_space<vmem>> -> memref<1x128xi32, #tpu.memory_space<vmem>>
      %dma_wait3A_158 = tpu.memref_squeeze %dma_wait3A_157 : memref<1x128xi32, #tpu.memory_space<vmem>> -> memref<128xi32, #tpu.memory_space<vmem>>
      %dma_wait3A_159 = arith.constant 0 : i32
      %dma_wait3A_160 = arith.constant 0 : i32
      %dma_wait3A_161 = tpu.memref_slice %arg8[%dma_wait3A_159, %dma_wait3A_160] : memref<4096x128xf32, #tpu.memory_space<vmem_shared>> -> memref<4096x128xf32, #tpu.memory_space<vmem_shared>>
      tpu.wait_indirect_dma semaphore(%run_scoped3A_135 : memref<!tpu.dma_semaphore, #tpu.memory_space<semaphore_mem>>) src(%dma_wait3A_155 : memref<128x128xf32, #tpu.memory_space<vmem>>) dst(%dma_wait3A_161 : memref<4096x128xf32, #tpu.memory_space<vmem_shared>>)
      tpu.yield
    }) : () -> ()
    %run_scoped3A_79 = arith.constant 1 : i32
    %run_scoped3A_80 = arith.constant 3 : i32
    "tpu.region"() ({
      %run_scoped3A_135 = tpu.sem_alloc : memref<!tpu.dma_semaphore, #tpu.memory_space<semaphore_mem>>
      %dma_start3A_136 = arith.constant 0 : i32
      %dma_start3A_137 = arith.constant 0 : i32
      %dma_start3A_138 = tpu.memref_slice %arg7[%run_scoped3A_79, %dma_start3A_136, %dma_start3A_137] : memref<2x256x128xf32, #tpu.memory_space<vmem>> -> memref<1x256x128xf32, #tpu.memory_space<vmem>>
      %dma_start3A_139 = tpu.memref_squeeze %dma_start3A_138 : memref<1x256x128xf32, #tpu.memory_space<vmem>> -> memref<256x128xf32, #tpu.memory_space<vmem>>
      %dma_start3A_140 = arith.constant 128 : i32
      %dma_start3A_141 = arith.constant 0 : i32
      %dma_start3A_142 = tpu.memref_slice %dma_start3A_139[%dma_start3A_140, %dma_start3A_141] : memref<256x128xf32, #tpu.memory_space<vmem>> -> memref<128x128xf32, #tpu.memory_space<vmem>>
      %dma_start3A_143 = arith.constant 0 : i32
      %dma_start3A_144 = tpu.memref_slice %arg6[%run_scoped3A_80, %dma_start3A_143] : memref<8x128xi32, #tpu.memory_space<vmem>> -> memref<1x128xi32, #tpu.memory_space<vmem>>
      %dma_start3A_145 = tpu.memref_squeeze %dma_start3A_144 : memref<1x128xi32, #tpu.memory_space<vmem>> -> memref<128xi32, #tpu.memory_space<vmem>>
      %dma_start3A_146 = arith.constant 0 : i32
      %dma_start3A_147 = arith.constant 0 : i32
      %dma_start3A_148 = tpu.memref_slice %arg8[%dma_start3A_146, %dma_start3A_147] : memref<4096x128xf32, #tpu.memory_space<vmem_shared>> -> memref<4096x128xf32, #tpu.memory_space<vmem_shared>>
      tpu.enqueue_indirect_dma source(%dma_start3A_142 : memref<128x128xf32, #tpu.memory_space<vmem>>) target(%dma_start3A_148 : memref<4096x128xf32, #tpu.memory_space<vmem_shared>>) offsets(%dma_start3A_145 : memref<128xi32, #tpu.memory_space<vmem>>) semaphore(%run_scoped3A_135 : memref<!tpu.dma_semaphore, #tpu.memory_space<semaphore_mem>>) {add = true}
      %dma_wait3A_149 = arith.constant 0 : i32
      %dma_wait3A_150 = arith.constant 0 : i32
      %dma_wait3A_151 = tpu.memref_slice %arg7[%run_scoped3A_79, %dma_wait3A_149, %dma_wait3A_150] : memref<2x256x128xf32, #tpu.memory_space<vmem>> -> memref<1x256x128xf32, #tpu.memory_space<vmem>>
      %dma_wait3A_152 = tpu.memref_squeeze %dma_wait3A_151 : memref<1x256x128xf32, #tpu.memory_space<vmem>> -> memref<256x128xf32, #tpu.memory_space<vmem>>
      %dma_wait3A_153 = arith.constant 128 : i32
      %dma_wait3A_154 = arith.constant 0 : i32
      %dma_wait3A_155 = tpu.memref_slice %dma_wait3A_152[%dma_wait3A_153, %dma_wait3A_154] : memref<256x128xf32, #tpu.memory_space<vmem>> -> memref<128x128xf32, #tpu.memory_space<vmem>>
      %dma_wait3A_156 = arith.constant 0 : i32
      %dma_wait3A_157 = tpu.memref_slice %arg6[%run_scoped3A_80, %dma_wait3A_156] : memref<8x128xi32, #tpu.memory_space<vmem>> -> memref<1x128xi32, #tpu.memory_space<vmem>>
      %dma_wait3A_158 = tpu.memref_squeeze %dma_wait3A_157 : memref<1x128xi32, #tpu.memory_space<vmem>> -> memref<128xi32, #tpu.memory_space<vmem>>
      %dma_wait3A_159 = arith.constant 0 : i32
      %dma_wait3A_160 = arith.constant 0 : i32
      %dma_wait3A_161 = tpu.memref_slice %arg8[%dma_wait3A_159, %dma_wait3A_160] : memref<4096x128xf32, #tpu.memory_space<vmem_shared>> -> memref<4096x128xf32, #tpu.memory_space<vmem_shared>>
      tpu.wait_indirect_dma semaphore(%run_scoped3A_135 : memref<!tpu.dma_semaphore, #tpu.memory_space<semaphore_mem>>) src(%dma_wait3A_155 : memref<128x128xf32, #tpu.memory_space<vmem>>) dst(%dma_wait3A_161 : memref<4096x128xf32, #tpu.memory_space<vmem_shared>>)
      tpu.yield
    }) : () -> ()
    %dma_wait3A_81 = arith.constant 0 : i32
    %dma_wait3A_82 = arith.constant 0 : i32
    %dma_wait3A_83 = arith.constant 0 : i32
    %dma_wait3A_84 = tpu.memref_slice %arg7[%dma_wait3A_81, %dma_wait3A_82, %dma_wait3A_83] : memref<2x256x128xf32, #tpu.memory_space<vmem>> -> memref<1x256x128xf32, #tpu.memory_space<vmem>>
    %dma_wait3A_85 = tpu.memref_squeeze %dma_wait3A_84 : memref<1x256x128xf32, #tpu.memory_space<vmem>> -> memref<256x128xf32, #tpu.memory_space<vmem>>
    %dma_wait3A_86 = arith.constant 0 : i32
    %dma_wait3A_87 = tpu.memref_slice %arg2[%add3A_63, %dma_wait3A_86] : memref<32768x128xf32, #tpu.memory_space<hbm>> -> memref<256x128xf32, #tpu.memory_space<hbm>>
    %dma_wait3A_88 = arith.constant 0 : i32
    %dma_wait3A_89 = arith.constant 0 : i32
    %dma_wait3A_90 = tpu.memref_slice %arg7[%dma_wait3A_81, %dma_wait3A_88, %dma_wait3A_89] : memref<2x256x128xf32, #tpu.memory_space<vmem>> -> memref<1x256x128xf32, #tpu.memory_space<vmem>>
    %dma_wait3A_91 = tpu.memref_squeeze %dma_wait3A_90 : memref<1x256x128xf32, #tpu.memory_space<vmem>> -> memref<256x128xf32, #tpu.memory_space<vmem>>
    %dma_wait3A_92 = arith.constant 0 : i32
    %dma_wait3A_93 = tpu.memref_slice %arg2[%add3A_63, %dma_wait3A_92] : memref<32768x128xf32, #tpu.memory_space<hbm>> -> memref<256x128xf32, #tpu.memory_space<hbm>>
    tpu.wait_dma2 semaphore(%arg9 : memref<!tpu.dma_semaphore, #tpu.memory_space<semaphore_mem>>) src(%dma_wait3A_93 : memref<256x128xf32, #tpu.memory_space<hbm>>) dst(%dma_wait3A_91 : memref<256x128xf32, #tpu.memory_space<vmem>>)
    %add3A_94 = arith.constant 768 : i32
    %add3A_95 = arith.addi %mul3A_2, %add3A_94 : i32
    %dma_start3A_96 = arith.constant 1 : i32
    %dma_start3A_97 = arith.constant 0 : i32
    %dma_start3A_98 = arith.constant 0 : i32
    %dma_start3A_99 = tpu.memref_slice %arg7[%dma_start3A_96, %dma_start3A_97, %dma_start3A_98] : memref<2x256x128xf32, #tpu.memory_space<vmem>> -> memref<1x256x128xf32, #tpu.memory_space<vmem>>
    %dma_start3A_100 = tpu.memref_squeeze %dma_start3A_99 : memref<1x256x128xf32, #tpu.memory_space<vmem>> -> memref<256x128xf32, #tpu.memory_space<vmem>>
    %dma_start3A_101 = arith.constant 0 : i32
    %dma_start3A_102 = tpu.memref_slice %arg2[%add3A_95, %dma_start3A_101] : memref<32768x128xf32, #tpu.memory_space<hbm>> -> memref<256x128xf32, #tpu.memory_space<hbm>>
    %dma_start3A_103 = arith.constant 0 : i32
    %dma_start3A_104 = arith.constant 0 : i32
    %dma_start3A_105 = tpu.memref_slice %arg7[%dma_start3A_96, %dma_start3A_103, %dma_start3A_104] : memref<2x256x128xf32, #tpu.memory_space<vmem>> -> memref<1x256x128xf32, #tpu.memory_space<vmem>>
    %dma_start3A_106 = tpu.memref_squeeze %dma_start3A_105 : memref<1x256x128xf32, #tpu.memory_space<vmem>> -> memref<256x128xf32, #tpu.memory_space<vmem>>
    %dma_start3A_107 = arith.constant 0 : i32
    %dma_start3A_108 = tpu.memref_slice %arg2[%add3A_95, %dma_start3A_107] : memref<32768x128xf32, #tpu.memory_space<hbm>> -> memref<256x128xf32, #tpu.memory_space<hbm>>
    tpu.enqueue_dma source(%dma_start3A_108 : memref<256x128xf32, #tpu.memory_space<hbm>>) target(%dma_start3A_106 : memref<256x128xf32, #tpu.memory_space<vmem>>) target_semaphore(%arg9 : memref<!tpu.dma_semaphore, #tpu.memory_space<semaphore_mem>>)
    %run_scoped3A_109 = arith.constant 0 : i32
    %run_scoped3A_110 = arith.constant 4 : i32
    "tpu.region"() ({
      %run_scoped3A_135 = tpu.sem_alloc : memref<!tpu.dma_semaphore, #tpu.memory_space<semaphore_mem>>
      %dma_start3A_136 = arith.constant 0 : i32
      %dma_start3A_137 = arith.constant 0 : i32
      %dma_start3A_138 = tpu.memref_slice %arg7[%run_scoped3A_109, %dma_start3A_136, %dma_start3A_137] : memref<2x256x128xf32, #tpu.memory_space<vmem>> -> memref<1x256x128xf32, #tpu.memory_space<vmem>>
      %dma_start3A_139 = tpu.memref_squeeze %dma_start3A_138 : memref<1x256x128xf32, #tpu.memory_space<vmem>> -> memref<256x128xf32, #tpu.memory_space<vmem>>
      %dma_start3A_140 = arith.constant 0 : i32
      %dma_start3A_141 = arith.constant 0 : i32
      %dma_start3A_142 = tpu.memref_slice %dma_start3A_139[%dma_start3A_140, %dma_start3A_141] : memref<256x128xf32, #tpu.memory_space<vmem>> -> memref<128x128xf32, #tpu.memory_space<vmem>>
      %dma_start3A_143 = arith.constant 0 : i32
      %dma_start3A_144 = tpu.memref_slice %arg6[%run_scoped3A_110, %dma_start3A_143] : memref<8x128xi32, #tpu.memory_space<vmem>> -> memref<1x128xi32, #tpu.memory_space<vmem>>
      %dma_start3A_145 = tpu.memref_squeeze %dma_start3A_144 : memref<1x128xi32, #tpu.memory_space<vmem>> -> memref<128xi32, #tpu.memory_space<vmem>>
      %dma_start3A_146 = arith.constant 0 : i32
      %dma_start3A_147 = arith.constant 0 : i32
      %dma_start3A_148 = tpu.memref_slice %arg8[%dma_start3A_146, %dma_start3A_147] : memref<4096x128xf32, #tpu.memory_space<vmem_shared>> -> memref<4096x128xf32, #tpu.memory_space<vmem_shared>>
      tpu.enqueue_indirect_dma source(%dma_start3A_142 : memref<128x128xf32, #tpu.memory_space<vmem>>) target(%dma_start3A_148 : memref<4096x128xf32, #tpu.memory_space<vmem_shared>>) offsets(%dma_start3A_145 : memref<128xi32, #tpu.memory_space<vmem>>) semaphore(%run_scoped3A_135 : memref<!tpu.dma_semaphore, #tpu.memory_space<semaphore_mem>>) {add = true}
      %dma_wait3A_149 = arith.constant 0 : i32
      %dma_wait3A_150 = arith.constant 0 : i32
      %dma_wait3A_151 = tpu.memref_slice %arg7[%run_scoped3A_109, %dma_wait3A_149, %dma_wait3A_150] : memref<2x256x128xf32, #tpu.memory_space<vmem>> -> memref<1x256x128xf32, #tpu.memory_space<vmem>>
      %dma_wait3A_152 = tpu.memref_squeeze %dma_wait3A_151 : memref<1x256x128xf32, #tpu.memory_space<vmem>> -> memref<256x128xf32, #tpu.memory_space<vmem>>
      %dma_wait3A_153 = arith.constant 0 : i32
      %dma_wait3A_154 = arith.constant 0 : i32
      %dma_wait3A_155 = tpu.memref_slice %dma_wait3A_152[%dma_wait3A_153, %dma_wait3A_154] : memref<256x128xf32, #tpu.memory_space<vmem>> -> memref<128x128xf32, #tpu.memory_space<vmem>>
      %dma_wait3A_156 = arith.constant 0 : i32
      %dma_wait3A_157 = tpu.memref_slice %arg6[%run_scoped3A_110, %dma_wait3A_156] : memref<8x128xi32, #tpu.memory_space<vmem>> -> memref<1x128xi32, #tpu.memory_space<vmem>>
      %dma_wait3A_158 = tpu.memref_squeeze %dma_wait3A_157 : memref<1x128xi32, #tpu.memory_space<vmem>> -> memref<128xi32, #tpu.memory_space<vmem>>
      %dma_wait3A_159 = arith.constant 0 : i32
      %dma_wait3A_160 = arith.constant 0 : i32
      %dma_wait3A_161 = tpu.memref_slice %arg8[%dma_wait3A_159, %dma_wait3A_160] : memref<4096x128xf32, #tpu.memory_space<vmem_shared>> -> memref<4096x128xf32, #tpu.memory_space<vmem_shared>>
      tpu.wait_indirect_dma semaphore(%run_scoped3A_135 : memref<!tpu.dma_semaphore, #tpu.memory_space<semaphore_mem>>) src(%dma_wait3A_155 : memref<128x128xf32, #tpu.memory_space<vmem>>) dst(%dma_wait3A_161 : memref<4096x128xf32, #tpu.memory_space<vmem_shared>>)
      tpu.yield
    }) : () -> ()
    %run_scoped3A_111 = arith.constant 0 : i32
    %run_scoped3A_112 = arith.constant 5 : i32
    "tpu.region"() ({
      %run_scoped3A_135 = tpu.sem_alloc : memref<!tpu.dma_semaphore, #tpu.memory_space<semaphore_mem>>
      %dma_start3A_136 = arith.constant 0 : i32
      %dma_start3A_137 = arith.constant 0 : i32
      %dma_start3A_138 = tpu.memref_slice %arg7[%run_scoped3A_111, %dma_start3A_136, %dma_start3A_137] : memref<2x256x128xf32, #tpu.memory_space<vmem>> -> memref<1x256x128xf32, #tpu.memory_space<vmem>>
      %dma_start3A_139 = tpu.memref_squeeze %dma_start3A_138 : memref<1x256x128xf32, #tpu.memory_space<vmem>> -> memref<256x128xf32, #tpu.memory_space<vmem>>
      %dma_start3A_140 = arith.constant 128 : i32
      %dma_start3A_141 = arith.constant 0 : i32
      %dma_start3A_142 = tpu.memref_slice %dma_start3A_139[%dma_start3A_140, %dma_start3A_141] : memref<256x128xf32, #tpu.memory_space<vmem>> -> memref<128x128xf32, #tpu.memory_space<vmem>>
      %dma_start3A_143 = arith.constant 0 : i32
      %dma_start3A_144 = tpu.memref_slice %arg6[%run_scoped3A_112, %dma_start3A_143] : memref<8x128xi32, #tpu.memory_space<vmem>> -> memref<1x128xi32, #tpu.memory_space<vmem>>
      %dma_start3A_145 = tpu.memref_squeeze %dma_start3A_144 : memref<1x128xi32, #tpu.memory_space<vmem>> -> memref<128xi32, #tpu.memory_space<vmem>>
      %dma_start3A_146 = arith.constant 0 : i32
      %dma_start3A_147 = arith.constant 0 : i32
      %dma_start3A_148 = tpu.memref_slice %arg8[%dma_start3A_146, %dma_start3A_147] : memref<4096x128xf32, #tpu.memory_space<vmem_shared>> -> memref<4096x128xf32, #tpu.memory_space<vmem_shared>>
      tpu.enqueue_indirect_dma source(%dma_start3A_142 : memref<128x128xf32, #tpu.memory_space<vmem>>) target(%dma_start3A_148 : memref<4096x128xf32, #tpu.memory_space<vmem_shared>>) offsets(%dma_start3A_145 : memref<128xi32, #tpu.memory_space<vmem>>) semaphore(%run_scoped3A_135 : memref<!tpu.dma_semaphore, #tpu.memory_space<semaphore_mem>>) {add = true}
      %dma_wait3A_149 = arith.constant 0 : i32
      %dma_wait3A_150 = arith.constant 0 : i32
      %dma_wait3A_151 = tpu.memref_slice %arg7[%run_scoped3A_111, %dma_wait3A_149, %dma_wait3A_150] : memref<2x256x128xf32, #tpu.memory_space<vmem>> -> memref<1x256x128xf32, #tpu.memory_space<vmem>>
      %dma_wait3A_152 = tpu.memref_squeeze %dma_wait3A_151 : memref<1x256x128xf32, #tpu.memory_space<vmem>> -> memref<256x128xf32, #tpu.memory_space<vmem>>
      %dma_wait3A_153 = arith.constant 128 : i32
      %dma_wait3A_154 = arith.constant 0 : i32
      %dma_wait3A_155 = tpu.memref_slice %dma_wait3A_152[%dma_wait3A_153, %dma_wait3A_154] : memref<256x128xf32, #tpu.memory_space<vmem>> -> memref<128x128xf32, #tpu.memory_space<vmem>>
      %dma_wait3A_156 = arith.constant 0 : i32
      %dma_wait3A_157 = tpu.memref_slice %arg6[%run_scoped3A_112, %dma_wait3A_156] : memref<8x128xi32, #tpu.memory_space<vmem>> -> memref<1x128xi32, #tpu.memory_space<vmem>>
      %dma_wait3A_158 = tpu.memref_squeeze %dma_wait3A_157 : memref<1x128xi32, #tpu.memory_space<vmem>> -> memref<128xi32, #tpu.memory_space<vmem>>
      %dma_wait3A_159 = arith.constant 0 : i32
      %dma_wait3A_160 = arith.constant 0 : i32
      %dma_wait3A_161 = tpu.memref_slice %arg8[%dma_wait3A_159, %dma_wait3A_160] : memref<4096x128xf32, #tpu.memory_space<vmem_shared>> -> memref<4096x128xf32, #tpu.memory_space<vmem_shared>>
      tpu.wait_indirect_dma semaphore(%run_scoped3A_135 : memref<!tpu.dma_semaphore, #tpu.memory_space<semaphore_mem>>) src(%dma_wait3A_155 : memref<128x128xf32, #tpu.memory_space<vmem>>) dst(%dma_wait3A_161 : memref<4096x128xf32, #tpu.memory_space<vmem_shared>>)
      tpu.yield
    }) : () -> ()
    %dma_wait3A_113 = arith.constant 1 : i32
    %dma_wait3A_114 = arith.constant 0 : i32
    %dma_wait3A_115 = arith.constant 0 : i32
    %dma_wait3A_116 = tpu.memref_slice %arg7[%dma_wait3A_113, %dma_wait3A_114, %dma_wait3A_115] : memref<2x256x128xf32, #tpu.memory_space<vmem>> -> memref<1x256x128xf32, #tpu.memory_space<vmem>>
    %dma_wait3A_117 = tpu.memref_squeeze %dma_wait3A_116 : memref<1x256x128xf32, #tpu.memory_space<vmem>> -> memref<256x128xf32, #tpu.memory_space<vmem>>
    %dma_wait3A_118 = arith.constant 0 : i32
    %dma_wait3A_119 = tpu.memref_slice %arg2[%add3A_95, %dma_wait3A_118] : memref<32768x128xf32, #tpu.memory_space<hbm>> -> memref<256x128xf32, #tpu.memory_space<hbm>>
    %dma_wait3A_120 = arith.constant 0 : i32
    %dma_wait3A_121 = arith.constant 0 : i32
    %dma_wait3A_122 = tpu.memref_slice %arg7[%dma_wait3A_113, %dma_wait3A_120, %dma_wait3A_121] : memref<2x256x128xf32, #tpu.memory_space<vmem>> -> memref<1x256x128xf32, #tpu.memory_space<vmem>>
    %dma_wait3A_123 = tpu.memref_squeeze %dma_wait3A_122 : memref<1x256x128xf32, #tpu.memory_space<vmem>> -> memref<256x128xf32, #tpu.memory_space<vmem>>
    %dma_wait3A_124 = arith.constant 0 : i32
    %dma_wait3A_125 = tpu.memref_slice %arg2[%add3A_95, %dma_wait3A_124] : memref<32768x128xf32, #tpu.memory_space<hbm>> -> memref<256x128xf32, #tpu.memory_space<hbm>>
    tpu.wait_dma2 semaphore(%arg9 : memref<!tpu.dma_semaphore, #tpu.memory_space<semaphore_mem>>) src(%dma_wait3A_125 : memref<256x128xf32, #tpu.memory_space<hbm>>) dst(%dma_wait3A_123 : memref<256x128xf32, #tpu.memory_space<vmem>>)
    %run_scoped3A_126 = arith.constant 1 : i32
    %run_scoped3A_127 = arith.constant 6 : i32
    "tpu.region"() ({
      %run_scoped3A_135 = tpu.sem_alloc : memref<!tpu.dma_semaphore, #tpu.memory_space<semaphore_mem>>
      %dma_start3A_136 = arith.constant 0 : i32
      %dma_start3A_137 = arith.constant 0 : i32
      %dma_start3A_138 = tpu.memref_slice %arg7[%run_scoped3A_126, %dma_start3A_136, %dma_start3A_137] : memref<2x256x128xf32, #tpu.memory_space<vmem>> -> memref<1x256x128xf32, #tpu.memory_space<vmem>>
      %dma_start3A_139 = tpu.memref_squeeze %dma_start3A_138 : memref<1x256x128xf32, #tpu.memory_space<vmem>> -> memref<256x128xf32, #tpu.memory_space<vmem>>
      %dma_start3A_140 = arith.constant 0 : i32
      %dma_start3A_141 = arith.constant 0 : i32
      %dma_start3A_142 = tpu.memref_slice %dma_start3A_139[%dma_start3A_140, %dma_start3A_141] : memref<256x128xf32, #tpu.memory_space<vmem>> -> memref<128x128xf32, #tpu.memory_space<vmem>>
      %dma_start3A_143 = arith.constant 0 : i32
      %dma_start3A_144 = tpu.memref_slice %arg6[%run_scoped3A_127, %dma_start3A_143] : memref<8x128xi32, #tpu.memory_space<vmem>> -> memref<1x128xi32, #tpu.memory_space<vmem>>
      %dma_start3A_145 = tpu.memref_squeeze %dma_start3A_144 : memref<1x128xi32, #tpu.memory_space<vmem>> -> memref<128xi32, #tpu.memory_space<vmem>>
      %dma_start3A_146 = arith.constant 0 : i32
      %dma_start3A_147 = arith.constant 0 : i32
      %dma_start3A_148 = tpu.memref_slice %arg8[%dma_start3A_146, %dma_start3A_147] : memref<4096x128xf32, #tpu.memory_space<vmem_shared>> -> memref<4096x128xf32, #tpu.memory_space<vmem_shared>>
      tpu.enqueue_indirect_dma source(%dma_start3A_142 : memref<128x128xf32, #tpu.memory_space<vmem>>) target(%dma_start3A_148 : memref<4096x128xf32, #tpu.memory_space<vmem_shared>>) offsets(%dma_start3A_145 : memref<128xi32, #tpu.memory_space<vmem>>) semaphore(%run_scoped3A_135 : memref<!tpu.dma_semaphore, #tpu.memory_space<semaphore_mem>>) {add = true}
      %dma_wait3A_149 = arith.constant 0 : i32
      %dma_wait3A_150 = arith.constant 0 : i32
      %dma_wait3A_151 = tpu.memref_slice %arg7[%run_scoped3A_126, %dma_wait3A_149, %dma_wait3A_150] : memref<2x256x128xf32, #tpu.memory_space<vmem>> -> memref<1x256x128xf32, #tpu.memory_space<vmem>>
      %dma_wait3A_152 = tpu.memref_squeeze %dma_wait3A_151 : memref<1x256x128xf32, #tpu.memory_space<vmem>> -> memref<256x128xf32, #tpu.memory_space<vmem>>
      %dma_wait3A_153 = arith.constant 0 : i32
      %dma_wait3A_154 = arith.constant 0 : i32
      %dma_wait3A_155 = tpu.memref_slice %dma_wait3A_152[%dma_wait3A_153, %dma_wait3A_154] : memref<256x128xf32, #tpu.memory_space<vmem>> -> memref<128x128xf32, #tpu.memory_space<vmem>>
      %dma_wait3A_156 = arith.constant 0 : i32
      %dma_wait3A_157 = tpu.memref_slice %arg6[%run_scoped3A_127, %dma_wait3A_156] : memref<8x128xi32, #tpu.memory_space<vmem>> -> memref<1x128xi32, #tpu.memory_space<vmem>>
      %dma_wait3A_158 = tpu.memref_squeeze %dma_wait3A_157 : memref<1x128xi32, #tpu.memory_space<vmem>> -> memref<128xi32, #tpu.memory_space<vmem>>
      %dma_wait3A_159 = arith.constant 0 : i32
      %dma_wait3A_160 = arith.constant 0 : i32
      %dma_wait3A_161 = tpu.memref_slice %arg8[%dma_wait3A_159, %dma_wait3A_160] : memref<4096x128xf32, #tpu.memory_space<vmem_shared>> -> memref<4096x128xf32, #tpu.memory_space<vmem_shared>>
      tpu.wait_indirect_dma semaphore(%run_scoped3A_135 : memref<!tpu.dma_semaphore, #tpu.memory_space<semaphore_mem>>) src(%dma_wait3A_155 : memref<128x128xf32, #tpu.memory_space<vmem>>) dst(%dma_wait3A_161 : memref<4096x128xf32, #tpu.memory_space<vmem_shared>>)
      tpu.yield
    }) : () -> ()
    %run_scoped3A_128 = arith.constant 1 : i32
    %run_scoped3A_129 = arith.constant 7 : i32
    "tpu.region"() ({
      %run_scoped3A_135 = tpu.sem_alloc : memref<!tpu.dma_semaphore, #tpu.memory_space<semaphore_mem>>
      %dma_start3A_136 = arith.constant 0 : i32
      %dma_start3A_137 = arith.constant 0 : i32
      %dma_start3A_138 = tpu.memref_slice %arg7[%run_scoped3A_128, %dma_start3A_136, %dma_start3A_137] : memref<2x256x128xf32, #tpu.memory_space<vmem>> -> memref<1x256x128xf32, #tpu.memory_space<vmem>>
      %dma_start3A_139 = tpu.memref_squeeze %dma_start3A_138 : memref<1x256x128xf32, #tpu.memory_space<vmem>> -> memref<256x128xf32, #tpu.memory_space<vmem>>
      %dma_start3A_140 = arith.constant 128 : i32
      %dma_start3A_141 = arith.constant 0 : i32
      %dma_start3A_142 = tpu.memref_slice %dma_start3A_139[%dma_start3A_140, %dma_start3A_141] : memref<256x128xf32, #tpu.memory_space<vmem>> -> memref<128x128xf32, #tpu.memory_space<vmem>>
      %dma_start3A_143 = arith.constant 0 : i32
      %dma_start3A_144 = tpu.memref_slice %arg6[%run_scoped3A_129, %dma_start3A_143] : memref<8x128xi32, #tpu.memory_space<vmem>> -> memref<1x128xi32, #tpu.memory_space<vmem>>
      %dma_start3A_145 = tpu.memref_squeeze %dma_start3A_144 : memref<1x128xi32, #tpu.memory_space<vmem>> -> memref<128xi32, #tpu.memory_space<vmem>>
      %dma_start3A_146 = arith.constant 0 : i32
      %dma_start3A_147 = arith.constant 0 : i32
      %dma_start3A_148 = tpu.memref_slice %arg8[%dma_start3A_146, %dma_start3A_147] : memref<4096x128xf32, #tpu.memory_space<vmem_shared>> -> memref<4096x128xf32, #tpu.memory_space<vmem_shared>>
      tpu.enqueue_indirect_dma source(%dma_start3A_142 : memref<128x128xf32, #tpu.memory_space<vmem>>) target(%dma_start3A_148 : memref<4096x128xf32, #tpu.memory_space<vmem_shared>>) offsets(%dma_start3A_145 : memref<128xi32, #tpu.memory_space<vmem>>) semaphore(%run_scoped3A_135 : memref<!tpu.dma_semaphore, #tpu.memory_space<semaphore_mem>>) {add = true}
      %dma_wait3A_149 = arith.constant 0 : i32
      %dma_wait3A_150 = arith.constant 0 : i32
      %dma_wait3A_151 = tpu.memref_slice %arg7[%run_scoped3A_128, %dma_wait3A_149, %dma_wait3A_150] : memref<2x256x128xf32, #tpu.memory_space<vmem>> -> memref<1x256x128xf32, #tpu.memory_space<vmem>>
      %dma_wait3A_152 = tpu.memref_squeeze %dma_wait3A_151 : memref<1x256x128xf32, #tpu.memory_space<vmem>> -> memref<256x128xf32, #tpu.memory_space<vmem>>
      %dma_wait3A_153 = arith.constant 128 : i32
      %dma_wait3A_154 = arith.constant 0 : i32
      %dma_wait3A_155 = tpu.memref_slice %dma_wait3A_152[%dma_wait3A_153, %dma_wait3A_154] : memref<256x128xf32, #tpu.memory_space<vmem>> -> memref<128x128xf32, #tpu.memory_space<vmem>>
      %dma_wait3A_156 = arith.constant 0 : i32
      %dma_wait3A_157 = tpu.memref_slice %arg6[%run_scoped3A_129, %dma_wait3A_156] : memref<8x128xi32, #tpu.memory_space<vmem>> -> memref<1x128xi32, #tpu.memory_space<vmem>>
      %dma_wait3A_158 = tpu.memref_squeeze %dma_wait3A_157 : memref<1x128xi32, #tpu.memory_space<vmem>> -> memref<128xi32, #tpu.memory_space<vmem>>
      %dma_wait3A_159 = arith.constant 0 : i32
      %dma_wait3A_160 = arith.constant 0 : i32
      %dma_wait3A_161 = tpu.memref_slice %arg8[%dma_wait3A_159, %dma_wait3A_160] : memref<4096x128xf32, #tpu.memory_space<vmem_shared>> -> memref<4096x128xf32, #tpu.memory_space<vmem_shared>>
      tpu.wait_indirect_dma semaphore(%run_scoped3A_135 : memref<!tpu.dma_semaphore, #tpu.memory_space<semaphore_mem>>) src(%dma_wait3A_155 : memref<128x128xf32, #tpu.memory_space<vmem>>) dst(%dma_wait3A_161 : memref<4096x128xf32, #tpu.memory_space<vmem_shared>>)
      tpu.yield
    }) : () -> ()
    %barrier3A_130 = arith.constant 0 : index
    tpu.barrier barrier_id(%barrier3A_130)
    %mul3A_131 = arith.constant 256 : i32
    %mul3A_132 = arith.muli %arg1, %mul3A_131 : i32
    %mul3A_133 = arith.constant 256 : i32
    %mul3A_134 = arith.muli %arg1, %mul3A_133 : i32
    "tpu.region"() ({
      %run_scoped3A_135 = tpu.sem_alloc : memref<!tpu.dma_semaphore, #tpu.memory_space<semaphore_mem>>
      %dma_start3A_136 = arith.constant 0 : i32
      %dma_start3A_137 = arith.constant 0 : i32
      %dma_start3A_138 = tpu.memref_slice %arg5[%arg0, %dma_start3A_136, %dma_start3A_137] : memref<2x4096x128xf32, #tpu.memory_space<hbm>> -> memref<1x4096x128xf32, #tpu.memory_space<hbm>>
      %dma_start3A_139 = tpu.memref_squeeze %dma_start3A_138 : memref<1x4096x128xf32, #tpu.memory_space<hbm>> -> memref<4096x128xf32, #tpu.memory_space<hbm>>
      %dma_start3A_140 = arith.constant 0 : i32
      %dma_start3A_141 = tpu.memref_slice %dma_start3A_139[%mul3A_134, %dma_start3A_140] : memref<4096x128xf32, #tpu.memory_space<hbm>> -> memref<256x128xf32, #tpu.memory_space<hbm>>
      %dma_start3A_142 = arith.constant 0 : i32
      %dma_start3A_143 = tpu.memref_slice %arg8[%mul3A_132, %dma_start3A_142] : memref<4096x128xf32, #tpu.memory_space<vmem_shared>> -> memref<256x128xf32, #tpu.memory_space<vmem_shared>>
      tpu.enqueue_dma source(%dma_start3A_143 : memref<256x128xf32, #tpu.memory_space<vmem_shared>>) target(%dma_start3A_141 : memref<256x128xf32, #tpu.memory_space<hbm>>) target_semaphore(%run_scoped3A_135 : memref<!tpu.dma_semaphore, #tpu.memory_space<semaphore_mem>>)
      %dma_wait3A_144 = arith.constant 0 : i32
      %dma_wait3A_145 = arith.constant 0 : i32
      %dma_wait3A_146 = tpu.memref_slice %arg5[%arg0, %dma_wait3A_144, %dma_wait3A_145] : memref<2x4096x128xf32, #tpu.memory_space<hbm>> -> memref<1x4096x128xf32, #tpu.memory_space<hbm>>
      %dma_wait3A_147 = tpu.memref_squeeze %dma_wait3A_146 : memref<1x4096x128xf32, #tpu.memory_space<hbm>> -> memref<4096x128xf32, #tpu.memory_space<hbm>>
      %dma_wait3A_148 = arith.constant 0 : i32
      %dma_wait3A_149 = tpu.memref_slice %dma_wait3A_147[%mul3A_134, %dma_wait3A_148] : memref<4096x128xf32, #tpu.memory_space<hbm>> -> memref<256x128xf32, #tpu.memory_space<hbm>>
      %dma_wait3A_150 = arith.constant 0 : i32
      %dma_wait3A_151 = tpu.memref_slice %arg8[%mul3A_132, %dma_wait3A_150] : memref<4096x128xf32, #tpu.memory_space<vmem_shared>> -> memref<256x128xf32, #tpu.memory_space<vmem_shared>>
      tpu.wait_dma2 semaphore(%run_scoped3A_135 : memref<!tpu.dma_semaphore, #tpu.memory_space<semaphore_mem>>) src(%dma_wait3A_151 : memref<256x128xf32, #tpu.memory_space<vmem_shared>>) dst(%dma_wait3A_149 : memref<256x128xf32, #tpu.memory_space<hbm>>)
      tpu.yield
    }) : () -> ()
    return
  }
}

module attributes {stable_mosaic.version = 14 : i64} {
  func.func @_edge_body(%arg0: i32, %arg1: memref<64x2048xf32, #tpu.memory_space<vmem>>, %arg2: memref<2048x128xf32, #tpu.memory_space<vmem>>, %arg3: memref<1x2048xf32, #tpu.memory_space<vmem>>, %arg4: memref<64x64xbf16, #tpu.memory_space<vmem>>, %arg5: memref<1x64xf32, #tpu.memory_space<vmem>>, %arg6: memref<65x3072xbf16, #tpu.memory_space<vmem>>, %arg7: memref<3072x128xbf16, #tpu.memory_space<vmem>>, %arg8: memref<2048x128xf32, #tpu.memory_space<vmem>>) attributes {dimension_semantics = [#tpu.dimension_semantics<arbitrary>], iteration_bounds = array<i64: 16>, scalar_prefetch = 0 : i64, scratch_operands = 0 : i64, tpu.core_type = #tpu.core_type<tc>, window_params = [{transform_indices = @transform_0, window_bounds = array<i64: 64, 2048>}, {transform_indices = @transform_1, window_bounds = array<i64: 2048, 128>}, {transform_indices = @transform_2, window_bounds = array<i64: 1, 2048>}, {pipeline_mode = #tpu.pipeline_mode<synchronous>, transform_indices = @transform_3, window_bounds = array<i64: 64, 64>}, {pipeline_mode = #tpu.pipeline_mode<synchronous>, transform_indices = @transform_4, window_bounds = array<i64: 1, 64>}, {pipeline_mode = #tpu.pipeline_mode<synchronous>, transform_indices = @transform_5, window_bounds = array<i64: 65, 3072>}, {pipeline_mode = #tpu.pipeline_mode<synchronous>, transform_indices = @transform_6, window_bounds = array<i64: 3072, 128>}, {transform_indices = @transform_7, window_bounds = array<i64: 2048, 128>}]} {
    %get3A = arith.constant 0 : index
    %get3A_0 = arith.constant 0 : index
    %get3A_1 = vector.load %arg1[%get3A, %get3A_0] : memref<64x2048xf32, #tpu.memory_space<vmem>>, vector<64x2048xf32>
    %convert_element_type3A = arith.truncf %get3A_1 : vector<64x2048xf32> to vector<64x2048xbf16>
    %get3A_2 = arith.constant 0 : index
    %get3A_3 = arith.constant 0 : index
    %get3A_4 = vector.load %arg4[%get3A_2, %get3A_3] : memref<64x64xbf16, #tpu.memory_space<vmem>>, vector<64x64xbf16>
    %dot_general3A = arith.constant dense<0.000000e+00> : vector<2048x64xf32>
    %dot_general3A_5 = tpu.matmul %convert_element_type3A, %get3A_4, %dot_general3A {dimension_numbers = #tpu.dot_dimension_numbers<[0], [0], [1], [1], [0, 1, 1, 1], [], []>, transpose_lhs_hint = false} : vector<64x2048xbf16>, vector<64x64xbf16>, vector<2048x64xf32> -> vector<2048x64xf32>
    %get3A_6 = arith.constant 0 : index
    %get3A_7 = arith.constant 0 : index
    %get3A_8 = vector.load %arg5[%get3A_6, %get3A_7] : memref<1x64xf32, #tpu.memory_space<vmem>>, vector<1x64xf32>
    %add3A = vector.broadcast %get3A_8 : vector<1x64xf32> to vector<2048x64xf32>
    %add3A_9 = arith.addf %dot_general3A_5, %add3A : vector<2048x64xf32>
    %max3A = arith.constant 0.000000e+00 : f32
    %max3A_10 = vector.broadcast %max3A : f32 to vector<2048x64xf32>
    %max3A_11 = arith.maximumf %add3A_9, %max3A_10 : vector<2048x64xf32>
    %get3A_12 = arith.constant 0 : index
    %get3A_13 = arith.constant 0 : index
    %get3A_14 = vector.load %arg3[%get3A_12, %get3A_13] : memref<1x2048xf32, #tpu.memory_space<vmem>>, vector<1x2048xf32>
    %transpose3A = tpu.transpose %get3A_14, [1, 0] : vector<1x2048xf32> -> vector<2048x1xf32>
    %mul3A = arith.constant 0.144337565 : f32
    %mul3A_15 = vector.broadcast %mul3A : f32 to vector<2048x1xf32>
    %mul3A_16 = arith.mulf %transpose3A, %mul3A_15 : vector<2048x1xf32>
    %mul3A_17 = vector.broadcast %mul3A_16 : vector<2048x1xf32> to vector<2048x64xf32>
    %mul3A_18 = arith.mulf %max3A_11, %mul3A_17 : vector<2048x64xf32>
    %concatenate3A = tpu.concatenate %mul3A_18, %mul3A_16 in 1 : vector<2048x64xf32>, vector<2048x1xf32> -> vector<2048x65xf32>
    %convert_element_type3A_19 = arith.truncf %concatenate3A : vector<2048x65xf32> to vector<2048x65xbf16>
    %get3A_20 = arith.constant 0 : index
    %get3A_21 = arith.constant 0 : index
    %get3A_22 = vector.load %arg2[%get3A_20, %get3A_21] : memref<2048x128xf32, #tpu.memory_space<vmem>>, vector<2048x128xf32>
    %slice3A = vector.extract_strided_slice %get3A_22 {offsets = [0, 0], sizes = [2048, 64], strides = [1, 1]} : vector<2048x128xf32> to vector<2048x64xf32>
    %iota3A = tpu.iota {dimensions = array<i32: 1>} : vector<2048x64xi32>
    %lt3A = arith.constant 48 : i32
    %lt3A_23 = vector.broadcast %lt3A : i32 to vector<2048x64xi32>
    %lt3A_24 = arith.cmpi slt, %iota3A, %lt3A_23 : vector<2048x64xi32>
    %jit3A = arith.constant 0.000000e+00 : f32
    %broadcast_in_dim3A = vector.broadcast %jit3A : f32 to vector<2048x64xf32>
    %select_n3A = arith.select %lt3A_24, %slice3A, %broadcast_in_dim3A : vector<2048x64xi1>, vector<2048x64xf32>
    %convert_element_type3A_25 = arith.truncf %select_n3A : vector<2048x64xf32> to vector<2048x64xbf16>
    %tile3A = tpu.concatenate %convert_element_type3A_25, %convert_element_type3A_25, %convert_element_type3A_25, %convert_element_type3A_25 in 1 : vector<2048x64xbf16>, vector<2048x64xbf16>, vector<2048x64xbf16>, vector<2048x64xbf16> -> vector<2048x256xbf16>
    %broadcast_in_dim3A_26 = arith.constant 0.000000e+00 : f32
    %broadcast_in_dim3A_27 = vector.broadcast %broadcast_in_dim3A_26 : f32 to vector<2048x128xf32>
    %get3A_28 = arith.constant 0 : index
    %get3A_29 = arith.constant 0 : index
    %get3A_30 = vector.load %arg6[%get3A_28, %get3A_29] : memref<65x3072xbf16, #tpu.memory_space<vmem>>, vector<65x256xbf16>
    %dot_general3A_31 = arith.constant dense<0.000000e+00> : vector<2048x256xf32>
    %dot_general3A_32 = tpu.matmul %convert_element_type3A_19, %get3A_30, %dot_general3A_31 {dimension_numbers = #tpu.dot_dimension_numbers<[1], [0], [0], [1], [0, 0, 1, 1], [], []>, transpose_lhs_hint = false} : vector<2048x65xbf16>, vector<65x256xbf16>, vector<2048x256xf32> -> vector<2048x256xf32>
    %convert_element_type3A_33 = arith.truncf %dot_general3A_32 : vector<2048x256xf32> to vector<2048x256xbf16>
    %mul3A_34 = arith.mulf %convert_element_type3A_33, %tile3A : vector<2048x256xbf16>
    %get3A_35 = arith.constant 0 : index
    %get3A_36 = arith.constant 0 : index
    %get3A_37 = vector.load %arg7[%get3A_35, %get3A_36] : memref<3072x128xbf16, #tpu.memory_space<vmem>>, vector<256x128xbf16>
    %dot_general3A_38 = arith.constant dense<0.000000e+00> : vector<2048x128xf32>
    %dot_general3A_39 = tpu.matmul %mul3A_34, %get3A_37, %dot_general3A_38 {dimension_numbers = #tpu.dot_dimension_numbers<[1], [0], [0], [1], [0, 0, 1, 1], [], []>, transpose_lhs_hint = false} : vector<2048x256xbf16>, vector<256x128xbf16>, vector<2048x128xf32> -> vector<2048x128xf32>
    %add3A_40 = arith.addf %broadcast_in_dim3A_27, %dot_general3A_39 : vector<2048x128xf32>
    %get3A_41 = arith.constant 0 : index
    %get3A_42 = arith.constant 256 : index
    %get3A_43 = vector.load %arg6[%get3A_41, %get3A_42] : memref<65x3072xbf16, #tpu.memory_space<vmem>>, vector<65x256xbf16>
    %dot_general3A_44 = arith.constant dense<0.000000e+00> : vector<2048x256xf32>
    %dot_general3A_45 = tpu.matmul %convert_element_type3A_19, %get3A_43, %dot_general3A_44 {dimension_numbers = #tpu.dot_dimension_numbers<[1], [0], [0], [1], [0, 0, 1, 1], [], []>, transpose_lhs_hint = false} : vector<2048x65xbf16>, vector<65x256xbf16>, vector<2048x256xf32> -> vector<2048x256xf32>
    %convert_element_type3A_46 = arith.truncf %dot_general3A_45 : vector<2048x256xf32> to vector<2048x256xbf16>
    %mul3A_47 = arith.mulf %convert_element_type3A_46, %tile3A : vector<2048x256xbf16>
    %get3A_48 = arith.constant 256 : index
    %get3A_49 = arith.constant 0 : index
    %get3A_50 = vector.load %arg7[%get3A_48, %get3A_49] : memref<3072x128xbf16, #tpu.memory_space<vmem>>, vector<256x128xbf16>
    %dot_general3A_51 = arith.constant dense<0.000000e+00> : vector<2048x128xf32>
    %dot_general3A_52 = tpu.matmul %mul3A_47, %get3A_50, %dot_general3A_51 {dimension_numbers = #tpu.dot_dimension_numbers<[1], [0], [0], [1], [0, 0, 1, 1], [], []>, transpose_lhs_hint = false} : vector<2048x256xbf16>, vector<256x128xbf16>, vector<2048x128xf32> -> vector<2048x128xf32>
    %add3A_53 = arith.addf %add3A_40, %dot_general3A_52 : vector<2048x128xf32>
    %get3A_54 = arith.constant 0 : index
    %get3A_55 = arith.constant 512 : index
    %get3A_56 = vector.load %arg6[%get3A_54, %get3A_55] : memref<65x3072xbf16, #tpu.memory_space<vmem>>, vector<65x256xbf16>
    %dot_general3A_57 = arith.constant dense<0.000000e+00> : vector<2048x256xf32>
    %dot_general3A_58 = tpu.matmul %convert_element_type3A_19, %get3A_56, %dot_general3A_57 {dimension_numbers = #tpu.dot_dimension_numbers<[1], [0], [0], [1], [0, 0, 1, 1], [], []>, transpose_lhs_hint = false} : vector<2048x65xbf16>, vector<65x256xbf16>, vector<2048x256xf32> -> vector<2048x256xf32>
    %convert_element_type3A_59 = arith.truncf %dot_general3A_58 : vector<2048x256xf32> to vector<2048x256xbf16>
    %mul3A_60 = arith.mulf %convert_element_type3A_59, %tile3A : vector<2048x256xbf16>
    %get3A_61 = arith.constant 512 : index
    %get3A_62 = arith.constant 0 : index
    %get3A_63 = vector.load %arg7[%get3A_61, %get3A_62] : memref<3072x128xbf16, #tpu.memory_space<vmem>>, vector<256x128xbf16>
    %dot_general3A_64 = arith.constant dense<0.000000e+00> : vector<2048x128xf32>
    %dot_general3A_65 = tpu.matmul %mul3A_60, %get3A_63, %dot_general3A_64 {dimension_numbers = #tpu.dot_dimension_numbers<[1], [0], [0], [1], [0, 0, 1, 1], [], []>, transpose_lhs_hint = false} : vector<2048x256xbf16>, vector<256x128xbf16>, vector<2048x128xf32> -> vector<2048x128xf32>
    %add3A_66 = arith.addf %add3A_53, %dot_general3A_65 : vector<2048x128xf32>
    %get3A_67 = arith.constant 0 : index
    %get3A_68 = arith.constant 768 : index
    %get3A_69 = vector.load %arg6[%get3A_67, %get3A_68] : memref<65x3072xbf16, #tpu.memory_space<vmem>>, vector<65x256xbf16>
    %dot_general3A_70 = arith.constant dense<0.000000e+00> : vector<2048x256xf32>
    %dot_general3A_71 = tpu.matmul %convert_element_type3A_19, %get3A_69, %dot_general3A_70 {dimension_numbers = #tpu.dot_dimension_numbers<[1], [0], [0], [1], [0, 0, 1, 1], [], []>, transpose_lhs_hint = false} : vector<2048x65xbf16>, vector<65x256xbf16>, vector<2048x256xf32> -> vector<2048x256xf32>
    %convert_element_type3A_72 = arith.truncf %dot_general3A_71 : vector<2048x256xf32> to vector<2048x256xbf16>
    %mul3A_73 = arith.mulf %convert_element_type3A_72, %tile3A : vector<2048x256xbf16>
    %get3A_74 = arith.constant 768 : index
    %get3A_75 = arith.constant 0 : index
    %get3A_76 = vector.load %arg7[%get3A_74, %get3A_75] : memref<3072x128xbf16, #tpu.memory_space<vmem>>, vector<256x128xbf16>
    %dot_general3A_77 = arith.constant dense<0.000000e+00> : vector<2048x128xf32>
    %dot_general3A_78 = tpu.matmul %mul3A_73, %get3A_76, %dot_general3A_77 {dimension_numbers = #tpu.dot_dimension_numbers<[1], [0], [0], [1], [0, 0, 1, 1], [], []>, transpose_lhs_hint = false} : vector<2048x256xbf16>, vector<256x128xbf16>, vector<2048x128xf32> -> vector<2048x128xf32>
    %add3A_79 = arith.addf %add3A_66, %dot_general3A_78 : vector<2048x128xf32>
    %get3A_80 = arith.constant 0 : index
    %get3A_81 = arith.constant 1024 : index
    %get3A_82 = vector.load %arg6[%get3A_80, %get3A_81] : memref<65x3072xbf16, #tpu.memory_space<vmem>>, vector<65x256xbf16>
    %dot_general3A_83 = arith.constant dense<0.000000e+00> : vector<2048x256xf32>
    %dot_general3A_84 = tpu.matmul %convert_element_type3A_19, %get3A_82, %dot_general3A_83 {dimension_numbers = #tpu.dot_dimension_numbers<[1], [0], [0], [1], [0, 0, 1, 1], [], []>, transpose_lhs_hint = false} : vector<2048x65xbf16>, vector<65x256xbf16>, vector<2048x256xf32> -> vector<2048x256xf32>
    %convert_element_type3A_85 = arith.truncf %dot_general3A_84 : vector<2048x256xf32> to vector<2048x256xbf16>
    %mul3A_86 = arith.mulf %convert_element_type3A_85, %tile3A : vector<2048x256xbf16>
    %get3A_87 = arith.constant 1024 : index
    %get3A_88 = arith.constant 0 : index
    %get3A_89 = vector.load %arg7[%get3A_87, %get3A_88] : memref<3072x128xbf16, #tpu.memory_space<vmem>>, vector<256x128xbf16>
    %dot_general3A_90 = arith.constant dense<0.000000e+00> : vector<2048x128xf32>
    %dot_general3A_91 = tpu.matmul %mul3A_86, %get3A_89, %dot_general3A_90 {dimension_numbers = #tpu.dot_dimension_numbers<[1], [0], [0], [1], [0, 0, 1, 1], [], []>, transpose_lhs_hint = false} : vector<2048x256xbf16>, vector<256x128xbf16>, vector<2048x128xf32> -> vector<2048x128xf32>
    %add3A_92 = arith.addf %add3A_79, %dot_general3A_91 : vector<2048x128xf32>
    %get3A_93 = arith.constant 0 : index
    %get3A_94 = arith.constant 1280 : index
    %get3A_95 = vector.load %arg6[%get3A_93, %get3A_94] : memref<65x3072xbf16, #tpu.memory_space<vmem>>, vector<65x256xbf16>
    %dot_general3A_96 = arith.constant dense<0.000000e+00> : vector<2048x256xf32>
    %dot_general3A_97 = tpu.matmul %convert_element_type3A_19, %get3A_95, %dot_general3A_96 {dimension_numbers = #tpu.dot_dimension_numbers<[1], [0], [0], [1], [0, 0, 1, 1], [], []>, transpose_lhs_hint = false} : vector<2048x65xbf16>, vector<65x256xbf16>, vector<2048x256xf32> -> vector<2048x256xf32>
    %convert_element_type3A_98 = arith.truncf %dot_general3A_97 : vector<2048x256xf32> to vector<2048x256xbf16>
    %mul3A_99 = arith.mulf %convert_element_type3A_98, %tile3A : vector<2048x256xbf16>
    %get3A_100 = arith.constant 1280 : index
    %get3A_101 = arith.constant 0 : index
    %get3A_102 = vector.load %arg7[%get3A_100, %get3A_101] : memref<3072x128xbf16, #tpu.memory_space<vmem>>, vector<256x128xbf16>
    %dot_general3A_103 = arith.constant dense<0.000000e+00> : vector<2048x128xf32>
    %dot_general3A_104 = tpu.matmul %mul3A_99, %get3A_102, %dot_general3A_103 {dimension_numbers = #tpu.dot_dimension_numbers<[1], [0], [0], [1], [0, 0, 1, 1], [], []>, transpose_lhs_hint = false} : vector<2048x256xbf16>, vector<256x128xbf16>, vector<2048x128xf32> -> vector<2048x128xf32>
    %add3A_105 = arith.addf %add3A_92, %dot_general3A_104 : vector<2048x128xf32>
    %get3A_106 = arith.constant 0 : index
    %get3A_107 = arith.constant 1536 : index
    %get3A_108 = vector.load %arg6[%get3A_106, %get3A_107] : memref<65x3072xbf16, #tpu.memory_space<vmem>>, vector<65x256xbf16>
    %dot_general3A_109 = arith.constant dense<0.000000e+00> : vector<2048x256xf32>
    %dot_general3A_110 = tpu.matmul %convert_element_type3A_19, %get3A_108, %dot_general3A_109 {dimension_numbers = #tpu.dot_dimension_numbers<[1], [0], [0], [1], [0, 0, 1, 1], [], []>, transpose_lhs_hint = false} : vector<2048x65xbf16>, vector<65x256xbf16>, vector<2048x256xf32> -> vector<2048x256xf32>
    %convert_element_type3A_111 = arith.truncf %dot_general3A_110 : vector<2048x256xf32> to vector<2048x256xbf16>
    %mul3A_112 = arith.mulf %convert_element_type3A_111, %tile3A : vector<2048x256xbf16>
    %get3A_113 = arith.constant 1536 : index
    %get3A_114 = arith.constant 0 : index
    %get3A_115 = vector.load %arg7[%get3A_113, %get3A_114] : memref<3072x128xbf16, #tpu.memory_space<vmem>>, vector<256x128xbf16>
    %dot_general3A_116 = arith.constant dense<0.000000e+00> : vector<2048x128xf32>
    %dot_general3A_117 = tpu.matmul %mul3A_112, %get3A_115, %dot_general3A_116 {dimension_numbers = #tpu.dot_dimension_numbers<[1], [0], [0], [1], [0, 0, 1, 1], [], []>, transpose_lhs_hint = false} : vector<2048x256xbf16>, vector<256x128xbf16>, vector<2048x128xf32> -> vector<2048x128xf32>
    %add3A_118 = arith.addf %add3A_105, %dot_general3A_117 : vector<2048x128xf32>
    %get3A_119 = arith.constant 0 : index
    %get3A_120 = arith.constant 1792 : index
    %get3A_121 = vector.load %arg6[%get3A_119, %get3A_120] : memref<65x3072xbf16, #tpu.memory_space<vmem>>, vector<65x256xbf16>
    %dot_general3A_122 = arith.constant dense<0.000000e+00> : vector<2048x256xf32>
    %dot_general3A_123 = tpu.matmul %convert_element_type3A_19, %get3A_121, %dot_general3A_122 {dimension_numbers = #tpu.dot_dimension_numbers<[1], [0], [0], [1], [0, 0, 1, 1], [], []>, transpose_lhs_hint = false} : vector<2048x65xbf16>, vector<65x256xbf16>, vector<2048x256xf32> -> vector<2048x256xf32>
    %convert_element_type3A_124 = arith.truncf %dot_general3A_123 : vector<2048x256xf32> to vector<2048x256xbf16>
    %mul3A_125 = arith.mulf %convert_element_type3A_124, %tile3A : vector<2048x256xbf16>
    %get3A_126 = arith.constant 1792 : index
    %get3A_127 = arith.constant 0 : index
    %get3A_128 = vector.load %arg7[%get3A_126, %get3A_127] : memref<3072x128xbf16, #tpu.memory_space<vmem>>, vector<256x128xbf16>
    %dot_general3A_129 = arith.constant dense<0.000000e+00> : vector<2048x128xf32>
    %dot_general3A_130 = tpu.matmul %mul3A_125, %get3A_128, %dot_general3A_129 {dimension_numbers = #tpu.dot_dimension_numbers<[1], [0], [0], [1], [0, 0, 1, 1], [], []>, transpose_lhs_hint = false} : vector<2048x256xbf16>, vector<256x128xbf16>, vector<2048x128xf32> -> vector<2048x128xf32>
    %add3A_131 = arith.addf %add3A_118, %dot_general3A_130 : vector<2048x128xf32>
    %get3A_132 = arith.constant 0 : index
    %get3A_133 = arith.constant 2048 : index
    %get3A_134 = vector.load %arg6[%get3A_132, %get3A_133] : memref<65x3072xbf16, #tpu.memory_space<vmem>>, vector<65x256xbf16>
    %dot_general3A_135 = arith.constant dense<0.000000e+00> : vector<2048x256xf32>
    %dot_general3A_136 = tpu.matmul %convert_element_type3A_19, %get3A_134, %dot_general3A_135 {dimension_numbers = #tpu.dot_dimension_numbers<[1], [0], [0], [1], [0, 0, 1, 1], [], []>, transpose_lhs_hint = false} : vector<2048x65xbf16>, vector<65x256xbf16>, vector<2048x256xf32> -> vector<2048x256xf32>
    %convert_element_type3A_137 = arith.truncf %dot_general3A_136 : vector<2048x256xf32> to vector<2048x256xbf16>
    %mul3A_138 = arith.mulf %convert_element_type3A_137, %tile3A : vector<2048x256xbf16>
    %get3A_139 = arith.constant 2048 : index
    %get3A_140 = arith.constant 0 : index
    %get3A_141 = vector.load %arg7[%get3A_139, %get3A_140] : memref<3072x128xbf16, #tpu.memory_space<vmem>>, vector<256x128xbf16>
    %dot_general3A_142 = arith.constant dense<0.000000e+00> : vector<2048x128xf32>
    %dot_general3A_143 = tpu.matmul %mul3A_138, %get3A_141, %dot_general3A_142 {dimension_numbers = #tpu.dot_dimension_numbers<[1], [0], [0], [1], [0, 0, 1, 1], [], []>, transpose_lhs_hint = false} : vector<2048x256xbf16>, vector<256x128xbf16>, vector<2048x128xf32> -> vector<2048x128xf32>
    %add3A_144 = arith.addf %add3A_131, %dot_general3A_143 : vector<2048x128xf32>
    %get3A_145 = arith.constant 0 : index
    %get3A_146 = arith.constant 2304 : index
    %get3A_147 = vector.load %arg6[%get3A_145, %get3A_146] : memref<65x3072xbf16, #tpu.memory_space<vmem>>, vector<65x256xbf16>
    %dot_general3A_148 = arith.constant dense<0.000000e+00> : vector<2048x256xf32>
    %dot_general3A_149 = tpu.matmul %convert_element_type3A_19, %get3A_147, %dot_general3A_148 {dimension_numbers = #tpu.dot_dimension_numbers<[1], [0], [0], [1], [0, 0, 1, 1], [], []>, transpose_lhs_hint = false} : vector<2048x65xbf16>, vector<65x256xbf16>, vector<2048x256xf32> -> vector<2048x256xf32>
    %convert_element_type3A_150 = arith.truncf %dot_general3A_149 : vector<2048x256xf32> to vector<2048x256xbf16>
    %mul3A_151 = arith.mulf %convert_element_type3A_150, %tile3A : vector<2048x256xbf16>
    %get3A_152 = arith.constant 2304 : index
    %get3A_153 = arith.constant 0 : index
    %get3A_154 = vector.load %arg7[%get3A_152, %get3A_153] : memref<3072x128xbf16, #tpu.memory_space<vmem>>, vector<256x128xbf16>
    %dot_general3A_155 = arith.constant dense<0.000000e+00> : vector<2048x128xf32>
    %dot_general3A_156 = tpu.matmul %mul3A_151, %get3A_154, %dot_general3A_155 {dimension_numbers = #tpu.dot_dimension_numbers<[1], [0], [0], [1], [0, 0, 1, 1], [], []>, transpose_lhs_hint = false} : vector<2048x256xbf16>, vector<256x128xbf16>, vector<2048x128xf32> -> vector<2048x128xf32>
    %add3A_157 = arith.addf %add3A_144, %dot_general3A_156 : vector<2048x128xf32>
    %get3A_158 = arith.constant 0 : index
    %get3A_159 = arith.constant 2560 : index
    %get3A_160 = vector.load %arg6[%get3A_158, %get3A_159] : memref<65x3072xbf16, #tpu.memory_space<vmem>>, vector<65x256xbf16>
    %dot_general3A_161 = arith.constant dense<0.000000e+00> : vector<2048x256xf32>
    %dot_general3A_162 = tpu.matmul %convert_element_type3A_19, %get3A_160, %dot_general3A_161 {dimension_numbers = #tpu.dot_dimension_numbers<[1], [0], [0], [1], [0, 0, 1, 1], [], []>, transpose_lhs_hint = false} : vector<2048x65xbf16>, vector<65x256xbf16>, vector<2048x256xf32> -> vector<2048x256xf32>
    %convert_element_type3A_163 = arith.truncf %dot_general3A_162 : vector<2048x256xf32> to vector<2048x256xbf16>
    %mul3A_164 = arith.mulf %convert_element_type3A_163, %tile3A : vector<2048x256xbf16>
    %get3A_165 = arith.constant 2560 : index
    %get3A_166 = arith.constant 0 : index
    %get3A_167 = vector.load %arg7[%get3A_165, %get3A_166] : memref<3072x128xbf16, #tpu.memory_space<vmem>>, vector<256x128xbf16>
    %dot_general3A_168 = arith.constant dense<0.000000e+00> : vector<2048x128xf32>
    %dot_general3A_169 = tpu.matmul %mul3A_164, %get3A_167, %dot_general3A_168 {dimension_numbers = #tpu.dot_dimension_numbers<[1], [0], [0], [1], [0, 0, 1, 1], [], []>, transpose_lhs_hint = false} : vector<2048x256xbf16>, vector<256x128xbf16>, vector<2048x128xf32> -> vector<2048x128xf32>
    %add3A_170 = arith.addf %add3A_157, %dot_general3A_169 : vector<2048x128xf32>
    %get3A_171 = arith.constant 0 : index
    %get3A_172 = arith.constant 2816 : index
    %get3A_173 = vector.load %arg6[%get3A_171, %get3A_172] : memref<65x3072xbf16, #tpu.memory_space<vmem>>, vector<65x256xbf16>
    %dot_general3A_174 = arith.constant dense<0.000000e+00> : vector<2048x256xf32>
    %dot_general3A_175 = tpu.matmul %convert_element_type3A_19, %get3A_173, %dot_general3A_174 {dimension_numbers = #tpu.dot_dimension_numbers<[1], [0], [0], [1], [0, 0, 1, 1], [], []>, transpose_lhs_hint = false} : vector<2048x65xbf16>, vector<65x256xbf16>, vector<2048x256xf32> -> vector<2048x256xf32>
    %convert_element_type3A_176 = arith.truncf %dot_general3A_175 : vector<2048x256xf32> to vector<2048x256xbf16>
    %mul3A_177 = arith.mulf %convert_element_type3A_176, %tile3A : vector<2048x256xbf16>
    %get3A_178 = arith.constant 2816 : index
    %get3A_179 = arith.constant 0 : index
    %get3A_180 = vector.load %arg7[%get3A_178, %get3A_179] : memref<3072x128xbf16, #tpu.memory_space<vmem>>, vector<256x128xbf16>
    %dot_general3A_181 = arith.constant dense<0.000000e+00> : vector<2048x128xf32>
    %dot_general3A_182 = tpu.matmul %mul3A_177, %get3A_180, %dot_general3A_181 {dimension_numbers = #tpu.dot_dimension_numbers<[1], [0], [0], [1], [0, 0, 1, 1], [], []>, transpose_lhs_hint = false} : vector<2048x256xbf16>, vector<256x128xbf16>, vector<2048x128xf32> -> vector<2048x128xf32>
    %add3A_183 = arith.addf %add3A_170, %dot_general3A_182 : vector<2048x128xf32>
    %iota3A_184 = tpu.iota {dimensions = array<i32: 1>} : vector<2048x128xi32>
    %eq3A = arith.constant 48 : i32
    %eq3A_185 = vector.broadcast %eq3A : i32 to vector<2048x128xi32>
    %eq3A_186 = arith.cmpi eq, %iota3A_184, %eq3A_185 : vector<2048x128xi32>
    %jit3A_187 = arith.constant 1.000000e+00 : f32
    %broadcast_in_dim3A_188 = vector.broadcast %jit3A_187 : f32 to vector<2048x128xf32>
    %select_n3A_189 = arith.select %eq3A_186, %broadcast_in_dim3A_188, %add3A_183 : vector<2048x128xi1>, vector<2048x128xf32>
    %swap3A = arith.constant 0 : index
    %swap3A_190 = arith.constant 0 : index
    %swap3A_191 = vector.load %arg8[%swap3A, %swap3A_190] : memref<2048x128xf32, #tpu.memory_space<vmem>>, vector<2048x128xf32>
    tpu.vector_store %arg8[%swap3A, %swap3A_190], %select_n3A_189 {strides = array<i32>} : memref<2048x128xf32, #tpu.memory_space<vmem>>, vector<2048x128xf32>,
    return
  }
  func.func @transform_0(%arg0: i32) -> (i32, i32) {
    %c0_i32 = arith.constant 0 : i32
    %c0_i32_0 = arith.constant 0 : i32
    return %c0_i32, %arg0 : i32, i32
  }
  func.func @transform_1(%arg0: i32) -> (i32, i32) {
    %c0_i32 = arith.constant 0 : i32
    %c0_i32_0 = arith.constant 0 : i32
    return %arg0, %c0_i32 : i32, i32
  }
  func.func @transform_2(%arg0: i32) -> (i32, i32) {
    %c0_i32 = arith.constant 0 : i32
    %c0_i32_0 = arith.constant 0 : i32
    return %c0_i32, %arg0 : i32, i32
  }
  func.func @transform_3(%arg0: i32) -> (i32, i32) {
    %c0_i32 = arith.constant 0 : i32
    %c0_i32_0 = arith.constant 0 : i32
    %c0_i32_1 = arith.constant 0 : i32
    return %c0_i32, %c0_i32_0 : i32, i32
  }
  func.func @transform_4(%arg0: i32) -> (i32, i32) {
    %c0_i32 = arith.constant 0 : i32
    %c0_i32_0 = arith.constant 0 : i32
    %c0_i32_1 = arith.constant 0 : i32
    return %c0_i32, %c0_i32_0 : i32, i32
  }
  func.func @transform_5(%arg0: i32) -> (i32, i32) {
    %c0_i32 = arith.constant 0 : i32
    %c0_i32_0 = arith.constant 0 : i32
    %c0_i32_1 = arith.constant 0 : i32
    return %c0_i32, %c0_i32_0 : i32, i32
  }
  func.func @transform_6(%arg0: i32) -> (i32, i32) {
    %c0_i32 = arith.constant 0 : i32
    %c0_i32_0 = arith.constant 0 : i32
    %c0_i32_1 = arith.constant 0 : i32
    return %c0_i32, %c0_i32_0 : i32, i32
  }
  func.func @transform_7(%arg0: i32) -> (i32, i32) {
    %c0_i32 = arith.constant 0 : i32
    %c0_i32_0 = arith.constant 0 : i32
    return %arg0, %c0_i32 : i32, i32
  }
}

module attributes {stable_mosaic.version = 14 : i64} {
  func.func @_combine_body(%arg0: i32, %arg1: memref<2x1024x128xf32, #tpu.memory_space<vmem>>, %arg2: memref<1024x48xf32, #tpu.memory_space<vmem>>, %arg3: memref<1024x48xf32, #tpu.memory_space<vmem>>) attributes {dimension_semantics = [#tpu.dimension_semantics<arbitrary>], iteration_bounds = array<i64: 4>, scalar_prefetch = 0 : i64, scratch_operands = 0 : i64, tpu.core_type = #tpu.core_type<tc>, window_params = [{transform_indices = @transform_0, window_bounds = array<i64: 2, 1024, 128>}, {transform_indices = @transform_1, window_bounds = array<i64: 1024, 48>}, {transform_indices = @transform_2, window_bounds = array<i64: 1024, 48>}]} {
    %get3A = arith.constant 0 : index
    %get3A_0 = arith.constant 0 : index
    %get3A_1 = arith.constant 0 : index
    %get3A_2 = vector.load %arg1[%get3A, %get3A_0, %get3A_1] : memref<2x1024x128xf32, #tpu.memory_space<vmem>>, vector<1x1024x128xf32>
    %get3A_3 = vector.shape_cast %get3A_2 : vector<1x1024x128xf32> to vector<1024x128xf32>
    %get3A_4 = arith.constant 1 : index
    %get3A_5 = arith.constant 0 : index
    %get3A_6 = arith.constant 0 : index
    %get3A_7 = vector.load %arg1[%get3A_4, %get3A_5, %get3A_6] : memref<2x1024x128xf32, #tpu.memory_space<vmem>>, vector<1x1024x128xf32>
    %get3A_8 = vector.shape_cast %get3A_7 : vector<1x1024x128xf32> to vector<1024x128xf32>
    %add3A = arith.addf %get3A_3, %get3A_8 : vector<1024x128xf32>
    %slice3A = vector.extract_strided_slice %add3A {offsets = [0, 48], sizes = [1024, 1], strides = [1, 1]} : vector<1024x128xf32> to vector<1024x1xf32>
    %max3A = arith.constant 1.000000e+00 : f32
    %max3A_9 = vector.broadcast %max3A : f32 to vector<1024x1xf32>
    %max3A_10 = arith.maximumf %slice3A, %max3A_9 : vector<1024x1xf32>
    %slice3A_11 = vector.extract_strided_slice %add3A {offsets = [0, 0], sizes = [1024, 48], strides = [1, 1]} : vector<1024x128xf32> to vector<1024x48xf32>
    %div3A = vector.broadcast %max3A_10 : vector<1024x1xf32> to vector<1024x48xf32>
    %div3A_12 = arith.divf %slice3A_11, %div3A : vector<1024x48xf32>
    %get3A_13 = arith.constant 0 : index
    %get3A_14 = arith.constant 0 : index
    %get3A_15 = vector.load %arg2[%get3A_13, %get3A_14] : memref<1024x48xf32, #tpu.memory_space<vmem>>, vector<1024x48xf32>
    %add3A_16 = arith.addf %div3A_12, %get3A_15 : vector<1024x48xf32>
    %swap3A = arith.constant 0 : index
    %swap3A_17 = arith.constant 0 : index
    %swap3A_18 = vector.load %arg3[%swap3A, %swap3A_17] : memref<1024x48xf32, #tpu.memory_space<vmem>>, vector<1024x48xf32>
    tpu.vector_store %arg3[%swap3A, %swap3A_17], %add3A_16 {strides = array<i32>} : memref<1024x48xf32, #tpu.memory_space<vmem>>, vector<1024x48xf32>,
    return
  }
  func.func @transform_0(%arg0: i32) -> (i32, i32, i32) {
    %c0_i32 = arith.constant 0 : i32
    %c0_i32_0 = arith.constant 0 : i32
    %c0_i32_1 = arith.constant 0 : i32
    return %c0_i32, %arg0, %c0_i32_0 : i32, i32, i32
  }
  func.func @transform_1(%arg0: i32) -> (i32, i32) {
    %c0_i32 = arith.constant 0 : i32
    %c0_i32_0 = arith.constant 0 : i32
    return %arg0, %c0_i32 : i32, i32
  }
  func.func @transform_2(%arg0: i32) -> (i32, i32) {
    %c0_i32 = arith.constant 0 : i32
    %c0_i32_0 = arith.constant 0 : i32
    return %arg0, %c0_i32 : i32, i32
  }
}

</mosaic_0001>

<sc_bundles>
// kernel: kernel.6.cloned.1.call-start
scs
__scs_entry_jumppad:
0x0: {  	(pc) =	sbr.rel $0x88, $3  }
0x1: {  	(tag) =	ssettag $0x0;
	lr =	simm.s32 $0x1  }
0x2: {  	[smem:$0x3F99] =	sst lr;
	_ =	strace $0xD0000000  }
0x3: {  	_ = 	snop  }
0x4: {  	_ = 	snop  }
0x5: {  	_ = 	snop  }
0x6: {  	_ = 	snop  }
0x7: {  	_ = 	snop  }
__scs_overlays_trampoline_lowered:
0x8: {  	[smem:$0x3FA8] =	sst s0  }
0x9: {  	[smem:$0x3FA9] =	sst s1  }
0xa: {  	[smem:$0x3FAA] =	sst s2  }
0xb: {  	[smem:$0x3FAB] =	sst s3  }
0xc: {  	[smem:$0x3FAC] =	sst s4  }
0xd: {  	[smem:$0x3FAD] =	sst s5  }
0xe: {  	[smem:$0x3FAE] =	sst s6  }
0xf: {  	[smem:$0x3FAF] =	sst s7  }
0x10: {  	[smem:$0x3FB0] =	sst s8  }
0x11: {  	[smem:$0x3FB1] =	sst s9;
	s0 =	simm.s32 @!p0 $0x0  }
0x12: {  	s1 =	sld [smem:$0x3F97];
	s0 =	simm.s32 @p0 $0x1  }
0x13: {  	[smem:$0x3FB2] =	sst s0;
	s0 =	simm.s32 @!p1 $0x0  }
0x14: {  	s2 =	sld [smem:$0x3F96];
	s0 =	simm.s32 @p1 $0x1  }
0x15: {  	[smem:$0x3FB3] =	sst s0;
	s0 =	simm.s32 @!p2 $0x0  }
0x16: {  	s3 =	sld [smem:$0x3FDB];
	s0 =	simm.s32 @p2 $0x1  }
0x17: {  	s4 =	simm.s32 $0x1BF5;
	[smem:$0x3FB5] =	sst s0  }
0x18: {  	s0 =	sld [smem:$0x3F98];
	_ =	swait.ge [sflag:s4], $0x0  }
0x19: {  	s7 =	sld [smem:$0x3F99]  }
0x1a: {  	s8 =	sadd.s32 $0xFFFFE003, lr  }
0x1b: {  	s9 =	sadd.s32 $0xFFFFFEF7, lr;
	s5 =	simm.s32 $0xFFFFFFFF;
	p2 =	slt.u32 s8, $0xFFFFF086  }
0x1c: {  	p1 =	slt.u32 s9, $0xF7A;
	s5 =	simm.s32 @!p2 $0x0  }
0x1d: {  	s5 =	simm.s32 @p1 $0x1;
	p0 =	seq.s32 s7, s2  }
0x1e: {  	s7 =	smul.u32 @!p0 $0xF7A, s2;
	p2 =	seq.s32 @!p0 s5, $0x0  }
0x1f: {  	s9 =	smul.u32 $0xF7A, s1;
	s8 =	simm.s32 @!p0 $0x1BF5;
	p2 =	por !p2, p0  }
0x20: {  	[sflag:s8] =	ssyncset.s32 @!p0 $0xFFFFF086;
	s6 =	sadd.s32 @!p0 s3, s7;
	s7 =	simm.s32 @!p0 $0x108  }
0x21: {  	s3 =	sadd.s32 s3, s9;
	s6 =	sadd.s32 @!p0 $0x88, s6;
	s7 =	simm.s32 @p2 $0x1082  }
0x22: {  	[simem:s7], [sflag:s8] =	dma.local @!p0 [hbm:s6], $0xF7A  }
0x23: {  	s9 =	sor.u32 $0xD0000000, s2;
	s6 =	simm.s32 $0x108;
	_ =	swait.ge @!p0 [sflag:s8], $0x0  }
0x24: {  	s3 =	sadd.s32 $0x88, s3;
	s6 =	simm.s32 @!p1 $0x1082;
	[sflag:s4] =	ssyncset.s32 $0xFFFFF086  }
0x25: {  	[simem:s6], [sflag:s4] =	dma.local [hbm:s3], $0xF7A  }
0x26: {  	[smem:$0x3F99] =	sst s1;
	(tag) =	ssettag s2;
	_ =	strace s9  }
0x27: {  	s1 =	sld [smem:$0x3FA9]  }
0x28: {  	s2 =	sld [smem:$0x3FAA]  }
0x29: {  	s4 =	sld [smem:$0x3FAC]  }
0x2a: {  	p0 =	seq.s32 s5, $0x0;
	s5 =	sld [smem:$0x3FAD]  }
0x2b: {  	s6 =	sld [smem:$0x3FAE]  }
0x2c: {  	s7 =	sld [smem:$0x3FAF]  }
0x2d: {  	s3 =	simm.s32 $0x108;
	s8 =	sld [smem:$0x3FB0]  }
0x2e: {  	s3 =	simm.s32 @!p0 $0x1082;
	s9 =	sld [smem:$0x3FB1]  }
0x2f: {  	lr =	sadd.s32 s0, s3;
	s0 =	sld [smem:$0x3FA8]  }
0x30: {  	s3 =	sld [smem:$0x3FAB]  }
0x31: {  	[smem:$0x3FB4] =	sst s10  }
0x32: {  	s10 =	sld [smem:$0x3FB2];
	_ =	sdelay $0x3  }
0x33: {  	p0 =	seq.s32 s10, $0x1;
	s10 =	sld [smem:$0x3FB4];
	_ =	sdelay $0x3  }
0x34: {  	[smem:$0x3FB4] =	sst s10  }
0x35: {  	s10 =	sld [smem:$0x3FB3];
	_ =	sdelay $0x3  }
0x36: {  	p1 =	seq.s32 s10, $0x1;
	s10 =	sld [smem:$0x3FB4];
	_ =	sdelay $0x3  }
0x37: {  	[smem:$0x3FB4] =	sst s10  }
0x38: {  	s10 =	sld [smem:$0x3FB5]  }
0x39: {  	_ = 	snop;
	(pc) =	sbr.ind lr, $3  }
0x3a: {  	_ = 	snop  }
0x3b: {  	_ = 	snop  }
0x3c: {  	p2 =	seq.s32 s10, $0x1;
	s10 =	sld [smem:$0x3FB4]  }
0x3d: {  	_ =	shalt  }
0x3e: {  	_ =	shalt  }
0x3f: {  	_ =	shalt  }
0x40: {  	_ =	shalt  }
0x41: {  	_ =	shalt  }
0x42: {  	_ =	shalt  }
0x43: {  	_ =	shalt  }
0x44: {  	_ =	shalt  }
0x45: {  	_ =	shalt  }
0x46: {  	_ =	shalt  }
0x47: {  	_ =	shalt  }
0x48: {  	_ =	shalt  }
0x49: {  	_ =	shalt  }
0x4a: {  	_ =	shalt  }
0x4b: {  	_ =	shalt  }
0x4c: {  	_ =	shalt  }
0x4d: {  	_ =	shalt  }
0x4e: {  	_ =	shalt  }
0x4f: {  	_ =	shalt  }
0x50: {  	_ =	shalt  }
0x51: {  	_ =	shalt  }
0x52: {  	_ =	shalt  }
0x53: {  	_ =	shalt  }
0x54: {  	_ =	shalt  }
0x55: {  	_ =	shalt  }
0x56: {  	_ =	shalt  }
0x57: {  	_ =	shalt  }
0x58: {  	_ =	shalt  }
0x59: {  	_ =	shalt  }
0x5a: {  	_ =	shalt  }
0x5b: {  	_ =	shalt  }
0x5c: {  	_ =	shalt  }
0x5d: {  	_ =	shalt  }
0x5e: {  	_ =	shalt  }
0x5f: {  	_ =	shalt  }
0x60: {  	_ =	shalt  }
0x61: {  	_ =	shalt  }
0x62: {  	_ =	shalt  }
0x63: {  	_ =	shalt  }
0x64: {  	_ =	shalt  }
0x65: {  	_ =	shalt  }
0x66: {  	_ =	shalt  }
0x67: {  	_ =	shalt  }
0x68: {  	_ =	shalt  }
0x69: {  	_ =	shalt  }
0x6a: {  	_ =	shalt  }
0x6b: {  	_ =	shalt  }
0x6c: {  	_ =	shalt  }
0x6d: {  	_ =	shalt  }
0x6e: {  	_ =	shalt  }
0x6f: {  	_ =	shalt  }
0x70: {  	_ =	shalt  }
0x71: {  	_ =	shalt  }
0x72: {  	_ =	shalt  }
0x73: {  	_ =	shalt  }
0x74: {  	_ =	shalt  }
0x75: {  	_ =	shalt  }
0x76: {  	_ =	shalt  }
0x77: {  	_ =	shalt  }
0x78: {  	_ =	shalt  }
0x79: {  	_ =	shalt  }
0x7a: {  	_ =	shalt  }
0x7b: {  	_ =	shalt  }
0x7c: {  	_ =	shalt  }
0x7d: {  	_ =	shalt  }
0x7e: {  	_ =	shalt  }
0x7f: {  	_ =	shalt  }
0x80: {  	_ =	shalt  }
0x81: {  	_ =	shalt  }
0x82: {  	_ =	shalt  }
0x83: {  	_ =	shalt  }
0x84: {  	_ =	shalt  }
0x85: {  	_ =	shalt  }
0x86: {  	_ =	shalt  }
0x87: {  	_ =	shalt  }
.Lfunc_end0:
.L_simem_size_0:
called_computation_lowered:
.L_overlay_start_0:
0x88: {  	s2 =	sld [smem:$0x3FD9]  }
0x89: {  	s3 =	sld [smem:$0x3FFE];
	_ =	sdelay $0x1  }
0x8a: {  	s1 =	srdreg.scid  }
0x8b: {  	s0 =	sand.u32 $0x1, s1  }
0x8c: {  	s16 =	sshll.u32 s0, $0xA;
	s2 =	sadd.s32 s3, s2  }
0x8d: {  	s2 =	sadd.s32 s2, s16  }
0x8e: {  	[smem:$0x3FC0] =	sst s2  }
0x8f: {  	_ = 	snop  }
0x90: {  	(tm) =	ssettm $0x1  }
0x91: {  	s17 =	sld [smem:$0x3FFB];
	_ =	sdelay $0x3  }
0x92: {  	_ =	strace s17  }
0x93: {  	s2 =	sld [smem:$0x3FFC];
	_ =	sdelay $0x3  }
0x94: {  	_ =	strace s2  }
0x95: {  	s2 =	sld [smem:$0x3FFD];
	_ =	sdelay $0x3  }
0x96: {  	_ =	strace s2  }
0x97: {  	_ =	strace $0x8FFFFFFF  }
0x98: {  	s18 =	sld [smem:$0x3FDB];
	_ =	sdelay $0x1  }
0x99: {  	s19 =	simm.s32 $_scs_section_size  }
0x9a: {  	s4 =	simm.s32 $_size__tile_overlayer_lowered;
	s5 =	simm.s32 $_tile_overlayer_lowered  }
0x9b: {  	s22 =	simm.s32 $0x1BFF;
	s21 =	sshll.u32 s5, $0x1;
	s2 =	sadd.s32 s19, s18  }
0x9c: {  	s6 =	simm.s32 $0x0;
	s20 =	sshll.u32 s4, $0x1;
	s4 =	sadd.s32 s21, s2  }
0x9d: {  	[timem:s6], [sflag:s22] =	dma.local [hbm:s4], s20  }
0x9e: {  	_ =	swait.ge [sflag:s22], s20  }
0x9f: {  	s3 =	ssub.s32 $0x0, s20;
	[sflag:s22] =	ssyncset.done $0x0  }
0xa0: {  	[sflag:s22] =	ssyncadd.s32 s3;
	_ =	sdelay $0x1  }
0xa1: {  	s23 =	simm.s32 $0x1B8B  }
0xa2: {  	_ =	swait.ge [sflag:s23], $0x1  }
0xa3: {  	[sflag:s23] =	ssyncset.done $0x0  }
0xa4: {  	s25 =	simm.s32 $0x1B8E;
	s24 =	sld [smem:$0x3FFE];
	[sflag:s23] =	ssyncadd.s32 $0xFFFFFFFF  }
0xa5: {  	s26 =	simm.s32 $execute0_lowered;
	[smem:$0x3FD2] =	sst s25  }
0xa6: {  	s4 =	sshll.u32 s26, $0x1;
	_ =	strace $0x80000046;
	[dreg:$0x1] =	wrdreg $0xFFFFFFFF  }
0xa7: {  	s28 =	simm.s32 $_size_execute0_lowered;
	s2 =	sadd.s32 s2, s4;
	[dreg:$0x0] =	wrdreg $0x0  }
0xa8: {  	s4 =	sshll.u32 s28, $0x1;
	[dreg:$0x2] =	wrdreg s2  }
0xa9: {  	[dreg:$0x3] =	wrdreg s4  }
0xaa: {  	[dreg:$0x4] =	wrdreg $0xC0  }
0xab: {  	_ =	task [dreg:s6], $0x5FFFF  }
0xac: {  	[dreg:$0x1] =	wrdreg $0xFFFFFFFF  }
0xad: {  	[dreg:$0x0] =	wrdreg $0x60  }
0xae: {  	[dreg:$0x2] =	wrdreg s24  }
0xaf: {  	[dreg:$0x3] =	wrdreg $0x9  }
0xb0: {  	_ =	task.clear_ibuf [dreg:s6], $0x4FFFF;
	_ =	strace $0x90000046  }
0xb1: {  	s29 =	simm.s32 $0x9;
	_ =	strace $0x80000048  }
0xb2: {  	_ =	swait.ge [sflag:s29], $0x1  }
0xb3: {  	[sflag:s29] =	ssyncadd.s32 $0xFFFFFFFF  }
0xb4: {  	_ =	strace $0x90000048  }
0xb5: {  	_ =	sfence  }
0xb6: {  	s30 =	sld [smem:$0x0];
	_ =	sdelay $0x2  }
0xb7: {  	s31 =	sshll.u32 s1, $0xD;
	s1 =	sshrl.u32 s1, $0x2  }
0xb8: {  	s3 =	sand.u32 $0x4000, s31;
	s1 =	sadd.s32 s1, s30  }
0xb9: {  	s0 =	sor.u32 s3, s0;
	s1 =	sshll.u32 s1, $0x11  }
0xba: {  	s0 =	sor.u32 s1, s0  }
0xbb: {  	s0 =	sadd.s32 $0x8F2B, s0  }
0xbc: {  	[sflag:s0] =	ssyncadd.remote.s32 $0x1  }
0xbd: {  	_ =	sfence.sel $0xFFFF  }
0xbe: {  	[dreg:$0x0] =	wrdreg $0xFFFFFFFF;
	(pc) =	sbr.abs _section_cstart, $3  }
0xbf: {  	[dreg:$0x1] =	wrdreg $0xFFFFFFFF  }
0xc0: {  	_ =	task.clear_ibuf [dreg:s6], $0x2FFFF;
	_ =	strace $0x9FFFFFFF  }
0xc1: {  	(tm) =	ssettm $0x7FFFFFFF  }
tec
execute0_lowered:
.L_overlay_start_1:
0x0: {  	(tag) =	ssettag $0x1  }
0x1: {  	s1 =	srdreg.scid  }
0x2: {  	s0 =	stileid.u32;
	s30 =	sand.u32 $0x1, s1  }
0x3: {  	s2 =	sshll.u32 s0, $0xA;
	s1 =	sshll.u32 s30, $0xE  }
0x4: {  	s19 =	sor.u32 s2, s1  }
0x5: {  	s18 =	rddreg [dreg:$0x0];
	s2 =	simm.s32 $0x0;
	s3 =	sshrl.u32 s19, $0x3  }
0x6: {  	s4 =	simm.s32 $0x3;
	[smem:$0x7FF] =	sst s2;
	s3 =	sadd.s32 s3, s18  }
0x7: {  	s1 =	rddreg [dreg:$0x1];
	_ =	strace $0x80000047;
	s3 =	sadd.s32 $0x2000, s3  }
0x8: {  	[tilespmem:s2], [sflag:$0x3] =	stream.linear.gather [hbm4b:s3+s2], $0x400, $0x38;
	[tilespmem:$0x18400] =	vst v63  }
0x9: {  	_ =	swait.ge [sflag:s4], $0x400  }
0xa: {  	s6 =	simm.s32 $0x80;
	[sflag:s4] =	ssyncset.done $0x0  }
0xb: {  	s7 =	simm.s32 $0x400;
	s5 =	sadd.s32 $0x3000, s18;
	[sflag:s4] =	ssyncadd.s32 $0xFFFFFC00  }
0xc: {  	[tilespmem:s7], [sflag:$0x1] =	stream.indirect.gather [hbm4b:s5+s6], $0x80, s2, s6, $0xb8;
	[tilespmem:$0x18400] =	vst v63  }
0xd: {  	s8 =	simm.s32 $0x4400  }
0xe: {  	[tilespmem:s8], [sflag:$0x1] =	stream.indirect.gather [hbm4b:s5+s6], $0x80, s6, s6, $0xb8;
	[tilespmem:$0x18400] =	vst v63  }
0xf: {  	s9 =	simm.s32 $0x100;
	s10 =	simm.s32 $0x8400  }
0x10: {  	[tilespmem:s10], [sflag:$0x1] =	stream.indirect.gather [hbm4b:s5+s6], $0x80, s9, s6, $0xb8;
	[tilespmem:$0x18400] =	vst v63  }
0x11: {  	s11 =	simm.s32 $0x180;
	s12 =	simm.s32 $0xC400  }
0x12: {  	[tilespmem:s12], [sflag:$0x1] =	stream.indirect.gather [hbm4b:s5+s6], $0x80, s11, s6, $0xb8;
	[tilespmem:$0x18400] =	vst v63  }
0x13: {  	s13 =	simm.s32 $0x200;
	s14 =	simm.s32 $0x10400  }
0x14: {  	[tilespmem:s14], [sflag:$0x1] =	stream.indirect.gather [hbm4b:s5+s6], $0x80, s13, s6, $0xb8;
	[tilespmem:$0x18400] =	vst v63  }
0x15: {  	s15 =	simm.s32 $0x280;
	s16 =	simm.s32 $0x14400;
	s17 =	simm.s32 $0x1  }
0x16: {  	[tilespmem:s16], [sflag:$0x1] =	stream.indirect.gather [hbm4b:s5+s6], $0x80, s15, s6, $0xb8;
	[tilespmem:$0x18400] =	vst v63  }
0x17: {  	s19 =	sshll.u32 s19, $0x4;
	_ =	swait.ge [sflag:s17], $0x4000  }
0x18: {  	s29 =	sadd.s32 s19, s18;
	[sflag:s17] =	ssyncset.done $0x0  }
0x19: {  	s18 =	simm.s32 $0x2;
	s19 =	sadd.s32 $0x13000, s29;
	[sflag:s17] =	ssyncadd.s32 $0xFFFFC000  }
0x1a: {  	[hbm4b:s19+s2] =	stream.linear.scatter [tilespmem:s7], [sflag:$0x2], $0x4000, $0x38;
	[tilespmem:$0x18400] =	vst v63  }
0x1b: {  	_ =	swait.ge [sflag:s18], $0x4000  }
0x1c: {  	[sflag:s18] =	ssyncset.done $0x0  }
0x1d: {  	s20 =	simm.s32 $0x300;
	[sflag:s18] =	ssyncadd.s32 $0xFFFFC000  }
0x1e: {  	[tilespmem:s7], [sflag:$0x1] =	stream.indirect.gather [hbm4b:s5+s6], $0x80, s20, s6, $0xb8;
	[tilespmem:$0x18400] =	vst v63  }
0x1f: {  	_ =	swait.ge [sflag:s17], $0x4000  }
0x20: {  	[sflag:s17] =	ssyncset.done $0x0  }
0x21: {  	s21 =	sadd.s32 $0x13800, s29;
	[sflag:s17] =	ssyncadd.s32 $0xFFFFC000  }
0x22: {  	[hbm4b:s21+s2] =	stream.linear.scatter [tilespmem:s8], [sflag:$0x2], $0x4000, $0x38;
	[tilespmem:$0x18400] =	vst v63  }
0x23: {  	_ =	swait.ge [sflag:s18], $0x4000  }
0x24: {  	[sflag:s18] =	ssyncset.done $0x0  }
0x25: {  	s22 =	simm.s32 $0x380;
	[sflag:s18] =	ssyncadd.s32 $0xFFFFC000  }
0x26: {  	[tilespmem:s8], [sflag:$0x1] =	stream.indirect.gather [hbm4b:s5+s6], $0x80, s22, s6, $0xb8;
	[tilespmem:$0x18400] =	vst v63  }
0x27: {  	_ =	swait.ge [sflag:s17], $0x4000  }
0x28: {  	[sflag:s17] =	ssyncset.done $0x0  }
0x29: {  	s23 =	sadd.s32 $0x14000, s29;
	[sflag:s17] =	ssyncadd.s32 $0xFFFFC000  }
0x2a: {  	[hbm4b:s23+s2] =	stream.linear.scatter [tilespmem:s10], [sflag:$0x2], $0x4000, $0x38;
	[tilespmem:$0x18400] =	vst v63  }
0x2b: {  	_ =	swait.ge [sflag:s17], $0x4000  }
0x2c: {  	[sflag:s17] =	ssyncset.done $0x0  }
0x2d: {  	s24 =	sadd.s32 $0x14800, s29;
	[sflag:s17] =	ssyncadd.s32 $0xFFFFC000  }
0x2e: {  	[hbm4b:s24+s2] =	stream.linear.scatter [tilespmem:s12], [sflag:$0x2], $0x4000, $0x38;
	[tilespmem:$0x18400] =	vst v63  }
0x2f: {  	_ =	swait.ge [sflag:s17], $0x4000  }
0x30: {  	[sflag:s17] =	ssyncset.done $0x0  }
0x31: {  	s25 =	sadd.s32 $0x15000, s29;
	[sflag:s17] =	ssyncadd.s32 $0xFFFFC000  }
0x32: {  	[hbm4b:s25+s2] =	stream.linear.scatter [tilespmem:s14], [sflag:$0x2], $0x4000, $0x38;
	[tilespmem:$0x18400] =	vst v63  }
0x33: {  	_ =	swait.ge [sflag:s17], $0x4000  }
0x34: {  	[sflag:s17] =	ssyncset.done $0x0  }
0x35: {  	s26 =	sadd.s32 $0x15800, s29;
	[sflag:s17] =	ssyncadd.s32 $0xFFFFC000  }
0x36: {  	[hbm4b:s26+s2] =	stream.linear.scatter [tilespmem:s16], [sflag:$0x2], $0x4000, $0x38;
	[tilespmem:$0x18400] =	vst v63  }
0x37: {  	_ =	swait.ge [sflag:s17], $0x4000  }
0x38: {  	[sflag:s17] =	ssyncset.done $0x0  }
0x39: {  	s28 =	sadd.s32 $0x16000, s29;
	[sflag:s17] =	ssyncadd.s32 $0xFFFFC000  }
0x3a: {  	[hbm4b:s28+s2] =	stream.linear.scatter [tilespmem:s7], [sflag:$0x2], $0x4000, $0x38;
	[tilespmem:$0x18400] =	vst v63  }
0x3b: {  	_ =	swait.ge [sflag:s17], $0x4000  }
0x3c: {  	[sflag:s17] =	ssyncset.done $0x0  }
0x3d: {  	s29 =	sadd.s32 $0x16800, s29;
	[sflag:s17] =	ssyncadd.s32 $0xFFFFC000  }
0x3e: {  	[hbm4b:s29+s2] =	stream.linear.scatter [tilespmem:s8], [sflag:$0x2], $0x4000, $0x38;
	[tilespmem:$0x18400] =	vst v63  }
0x3f: {  	_ =	swait.ge [sflag:s18], $0x4000  }
0x40: {  	[sflag:s18] =	ssyncset.done $0x0  }
0x41: {  	[sflag:s18] =	ssyncadd.s32 $0xFFFFC000  }
0x42: {  	_ =	swait.ge [sflag:s18], $0x4000  }
0x43: {  	[sflag:s18] =	ssyncset.done $0x0  }
0x44: {  	[sflag:s18] =	ssyncadd.s32 $0xFFFFC000  }
0x45: {  	_ =	swait.ge [sflag:s18], $0x4000  }
0x46: {  	s30 =	ssub.s32 $0x2, s30;
	[sflag:s18] =	ssyncset.done $0x0  }
0x47: {  	s31 =	sshrl.u32 s30, $0x1;
	[sflag:s18] =	ssyncadd.s32 $0xFFFFC000  }
0x48: {  	s30 =	ssub.s32 s30, s31;
	_ =	swait.ge [sflag:s18], $0x4000  }
0x49: {  	s30 =	smax.u32 s30, $0x1;
	[sflag:s18] =	ssyncset.done $0x0  }
0x4a: {  	p0 =	sne.s32 s30, $0x1;
	[sflag:s18] =	ssyncadd.s32 $0xFFFFC000  }
.Ltmp0:
0x4b: {  	_ =	swait.ge [sflag:s18], $0x4000;
	(pc) =	sbr.rel @!p0 .LBB2_2-.Ltmp0, $4  }
0x4c: {  	[sflag:s18] =	ssyncset.done $0x0  }
0x4d: {  	[sflag:s18] =	ssyncadd.s32 $0xFFFFC000  }
0x4e: {  	_ =	swait.ge [sflag:s18], $0x4000  }
0x4f: {  	s30 =	sadd.s32 $0xFFFFFFFF, s30;
	[sflag:s18] =	ssyncset.done $0x0  }
.LBB2_1:
0x50: {  	p0 =	sne.s32 s30, $0x1;
	s30 =	sadd.s32 $0xFFFFFFFF, s30;
	[sflag:s18] =	ssyncadd.s32 $0xFFFFC000  }
0x51: {  	[tilespmem:s2], [sflag:$0x3] =	stream.linear.gather [hbm4b:s3+s2], $0x400, $0x38;
	[tilespmem:$0x18400] =	vst v63  }
0x52: {  	_ =	swait.ge [sflag:s4], $0x400  }
0x53: {  	[sflag:s4] =	ssyncset.done $0x0  }
0x54: {  	[sflag:s4] =	ssyncadd.s32 $0xFFFFFC00  }
0x55: {  	[tilespmem:s7], [sflag:$0x1] =	stream.indirect.gather [hbm4b:s5+s6], $0x80, s2, s6, $0xb8;
	[tilespmem:$0x18400] =	vst v63  }
0x56: {  	_ = 	snop  }
0x57: {  	[tilespmem:s8], [sflag:$0x1] =	stream.indirect.gather [hbm4b:s5+s6], $0x80, s6, s6, $0xb8;
	[tilespmem:$0x18400] =	vst v63  }
0x58: {  	_ = 	snop  }
0x59: {  	[tilespmem:s10], [sflag:$0x1] =	stream.indirect.gather [hbm4b:s5+s6], $0x80, s9, s6, $0xb8;
	[tilespmem:$0x18400] =	vst v63  }
0x5a: {  	_ = 	snop  }
0x5b: {  	[tilespmem:s12], [sflag:$0x1] =	stream.indirect.gather [hbm4b:s5+s6], $0x80, s11, s6, $0xb8;
	[tilespmem:$0x18400] =	vst v63  }
0x5c: {  	_ = 	snop  }
0x5d: {  	[tilespmem:s14], [sflag:$0x1] =	stream.indirect.gather [hbm4b:s5+s6], $0x80, s13, s6, $0xb8;
	[tilespmem:$0x18400] =	vst v63  }
0x5e: {  	_ = 	snop  }
0x5f: {  	[tilespmem:s16], [sflag:$0x1] =	stream.indirect.gather [hbm4b:s5+s6], $0x80, s15, s6, $0xb8;
	[tilespmem:$0x18400] =	vst v63  }
0x60: {  	_ =	swait.ge [sflag:s17], $0x4000  }
0x61: {  	[sflag:s17] =	ssyncset.done $0x0  }
0x62: {  	[sflag:s17] =	ssyncadd.s32 $0xFFFFC000  }
0x63: {  	[hbm4b:s19+s2] =	stream.linear.scatter [tilespmem:s7], [sflag:$0x2], $0x4000, $0x38;
	[tilespmem:$0x18400] =	vst v63  }
0x64: {  	_ =	swait.ge [sflag:s18], $0x4000  }
0x65: {  	[sflag:s18] =	ssyncset.done $0x0  }
0x66: {  	[sflag:s18] =	ssyncadd.s32 $0xFFFFC000  }
0x67: {  	[tilespmem:s7], [sflag:$0x1] =	stream.indirect.gather [hbm4b:s5+s6], $0x80, s20, s6, $0xb8;
	[tilespmem:$0x18400] =	vst v63  }
0x68: {  	_ =	swait.ge [sflag:s17], $0x4000  }
0x69: {  	[sflag:s17] =	ssyncset.done $0x0  }
0x6a: {  	[sflag:s17] =	ssyncadd.s32 $0xFFFFC000  }
0x6b: {  	[hbm4b:s21+s2] =	stream.linear.scatter [tilespmem:s8], [sflag:$0x2], $0x4000, $0x38;
	[tilespmem:$0x18400] =	vst v63  }
0x6c: {  	_ =	swait.ge [sflag:s18], $0x4000  }
0x6d: {  	[sflag:s18] =	ssyncset.done $0x0  }
0x6e: {  	[sflag:s18] =	ssyncadd.s32 $0xFFFFC000  }
0x6f: {  	[tilespmem:s8], [sflag:$0x1] =	stream.indirect.gather [hbm4b:s5+s6], $0x80, s22, s6, $0xb8;
	[tilespmem:$0x18400] =	vst v63  }
0x70: {  	_ =	swait.ge [sflag:s17], $0x4000  }
0x71: {  	[sflag:s17] =	ssyncset.done $0x0  }
0x72: {  	[sflag:s17] =	ssyncadd.s32 $0xFFFFC000  }
0x73: {  	[hbm4b:s23+s2] =	stream.linear.scatter [tilespmem:s10], [sflag:$0x2], $0x4000, $0x38;
	[tilespmem:$0x18400] =	vst v63  }
0x74: {  	_ =	swait.ge [sflag:s17], $0x4000  }
0x75: {  	[sflag:s17] =	ssyncset.done $0x0  }
0x76: {  	[sflag:s17] =	ssyncadd.s32 $0xFFFFC000  }
0x77: {  	[hbm4b:s24+s2] =	stream.linear.scatter [tilespmem:s12], [sflag:$0x2], $0x4000, $0x38;
	[tilespmem:$0x18400] =	vst v63  }
0x78: {  	_ =	swait.ge [sflag:s17], $0x4000  }
0x79: {  	[sflag:s17] =	ssyncset.done $0x0  }
0x7a: {  	[sflag:s17] =	ssyncadd.s32 $0xFFFFC000  }
0x7b: {  	[hbm4b:s25+s2] =	stream.linear.scatter [tilespmem:s14], [sflag:$0x2], $0x4000, $0x38;
	[tilespmem:$0x18400] =	vst v63  }
0x7c: {  	_ =	swait.ge [sflag:s17], $0x4000  }
0x7d: {  	[sflag:s17] =	ssyncset.done $0x0  }
0x7e: {  	[sflag:s17] =	ssyncadd.s32 $0xFFFFC000  }
0x7f: {  	[hbm4b:s26+s2] =	stream.linear.scatter [tilespmem:s16], [sflag:$0x2], $0x4000, $0x38;
	[tilespmem:$0x18400] =	vst v63  }
0x80: {  	_ =	swait.ge [sflag:s17], $0x4000  }
0x81: {  	[sflag:s17] =	ssyncset.done $0x0  }
0x82: {  	[sflag:s17] =	ssyncadd.s32 $0xFFFFC000  }
0x83: {  	[hbm4b:s28+s2] =	stream.linear.scatter [tilespmem:s7], [sflag:$0x2], $0x4000, $0x38;
	[tilespmem:$0x18400] =	vst v63  }
0x84: {  	_ =	swait.ge [sflag:s17], $0x4000  }
0x85: {  	[sflag:s17] =	ssyncset.done $0x0  }
0x86: {  	[sflag:s17] =	ssyncadd.s32 $0xFFFFC000  }
0x87: {  	[hbm4b:s29+s2] =	stream.linear.scatter [tilespmem:s8], [sflag:$0x2], $0x4000, $0x38;
	[tilespmem:$0x18400] =	vst v63  }
0x88: {  	_ =	swait.ge [sflag:s18], $0x4000  }
0x89: {  	[sflag:s18] =	ssyncset.done $0x0  }
0x8a: {  	[sflag:s18] =	ssyncadd.s32 $0xFFFFC000  }
0x8b: {  	_ =	swait.ge [sflag:s18], $0x4000  }
0x8c: {  	[sflag:s18] =	ssyncset.done $0x0  }
0x8d: {  	[sflag:s18] =	ssyncadd.s32 $0xFFFFC000  }
0x8e: {  	_ =	swait.ge [sflag:s18], $0x4000  }
0x8f: {  	[sflag:s18] =	ssyncset.done $0x0  }
0x90: {  	[sflag:s18] =	ssyncadd.s32 $0xFFFFC000  }
0x91: {  	_ =	swait.ge [sflag:s18], $0x4000  }
0x92: {  	[sflag:s18] =	ssyncset.done $0x0  }
0x93: {  	[sflag:s18] =	ssyncadd.s32 $0xFFFFC000  }
.Ltmp1:
0x94: {  	_ =	swait.ge [sflag:s18], $0x4000;
	(pc) =	sbr.rel @p0 .LBB2_1-.Ltmp1, $4  }
0x95: {  	[sflag:s18] =	ssyncset.done $0x0  }
0x96: {  	[sflag:s18] =	ssyncadd.s32 $0xFFFFC000  }
0x97: {  	_ =	swait.ge [sflag:s18], $0x4000  }
0x98: {  	[sflag:s18] =	ssyncset.done $0x0  }
.LBB2_2:
0x99: {  	[sflag:s18] =	ssyncadd.s32 $0xFFFFC000  }
0x9a: {  	_ =	sfence.sel $0x180000  }
0x9b: {  	[bflag:$0x0] =	sbarrier.arrive $0xFFFF  }
0x9c: {  	p0 =	sne.s32 s0, $0x0;
	_ =	strace $0x90000047  }
0x9d: {  	s0 =	sadd.s32 @!p0 $0x100000, s1;
	[bflag:$0x2] =	sbarrier.arrive $0xFFFF  }
0x9e: {  	[sflag:s0] =	ssyncadd.tile.s32 @!p0 $0x1;
	_ =	shalt  }
.Lfunc_end2:
_tile_overlayer_lowered:
.L_overlay_start_2:
0x9f: {  	(tag) =	ssettag $0x2  }
0xa0: {  	s0 =	rddreg [dreg:$0x0];
	s2 =	stileid.u32  }
0xa1: {  	s1 =	rddreg [dreg:$0x1];
	p0 =	sne.s32 s2, $0x0  }
0xa2: {  	s3 =	rddreg [dreg:$0x2];
	[bflag:$0x3] =	sbarrier.arrive $0xFFFF;
	s2 =	simm.s32 @!p0 $0x1C03  }
0xa3: {  	[timem:s3], [sflag:s2] =	dma.local @!p0 [hbm:s0], s1  }
0xa4: {  	s0 =	simm.s32 @!p0 $0x3  }
0xa5: {  	_ =	swait.ge @!p0 [sflag:s0], s1  }
0xa6: {  	s1 =	ssub.s32 @!p0 $0x0, s1;
	[sflag:s0] =	ssyncset.done @!p0 $0x0  }
0xa7: {  	[sflag:s0] =	ssyncadd.s32 @!p0 s1  }
0xa8: {  	[bflag:$0x3] =	sbarrier.arrive $0xFFFF  }
0xa9: {  	_ =	shalt  }

// kernel: kernel.9.cloned.1.call-start
scs
__scs_entry_jumppad:
0x0: {  	(pc) =	sbr.rel $0x88, $3  }
0x1: {  	(tag) =	ssettag $0x0;
	lr =	simm.s32 $0x1  }
0x2: {  	[smem:$0x3F99] =	sst lr;
	_ =	strace $0xD0000000  }
0x3: {  	_ = 	snop  }
0x4: {  	_ = 	snop  }
0x5: {  	_ = 	snop  }
0x6: {  	_ = 	snop  }
0x7: {  	_ = 	snop  }
__scs_overlays_trampoline_lowered:
0x8: {  	[smem:$0x3FA8] =	sst s0  }
0x9: {  	[smem:$0x3FA9] =	sst s1  }
0xa: {  	[smem:$0x3FAA] =	sst s2  }
0xb: {  	[smem:$0x3FAB] =	sst s3  }
0xc: {  	[smem:$0x3FAC] =	sst s4  }
0xd: {  	[smem:$0x3FAD] =	sst s5  }
0xe: {  	[smem:$0x3FAE] =	sst s6  }
0xf: {  	[smem:$0x3FAF] =	sst s7  }
0x10: {  	[smem:$0x3FB0] =	sst s8  }
0x11: {  	[smem:$0x3FB1] =	sst s9;
	s0 =	simm.s32 @!p0 $0x0  }
0x12: {  	s1 =	sld [smem:$0x3F97];
	s0 =	simm.s32 @p0 $0x1  }
0x13: {  	[smem:$0x3FB2] =	sst s0;
	s0 =	simm.s32 @!p1 $0x0  }
0x14: {  	s2 =	sld [smem:$0x3F96];
	s0 =	simm.s32 @p1 $0x1  }
0x15: {  	[smem:$0x3FB3] =	sst s0;
	s0 =	simm.s32 @!p2 $0x0  }
0x16: {  	s3 =	sld [smem:$0x3FDB];
	s0 =	simm.s32 @p2 $0x1  }
0x17: {  	s4 =	simm.s32 $0x1BF5;
	[smem:$0x3FB5] =	sst s0  }
0x18: {  	s0 =	sld [smem:$0x3F98];
	_ =	swait.ge [sflag:s4], $0x0  }
0x19: {  	s7 =	sld [smem:$0x3F99]  }
0x1a: {  	s8 =	sadd.s32 $0xFFFFE003, lr  }
0x1b: {  	s9 =	sadd.s32 $0xFFFFFEF7, lr;
	s5 =	simm.s32 $0xFFFFFFFF;
	p2 =	slt.u32 s8, $0xFFFFF086  }
0x1c: {  	p1 =	slt.u32 s9, $0xF7A;
	s5 =	simm.s32 @!p2 $0x0  }
0x1d: {  	s5 =	simm.s32 @p1 $0x1;
	p0 =	seq.s32 s7, s2  }
0x1e: {  	s7 =	smul.u32 @!p0 $0xF7A, s2;
	p2 =	seq.s32 @!p0 s5, $0x0  }
0x1f: {  	s9 =	smul.u32 $0xF7A, s1;
	s8 =	simm.s32 @!p0 $0x1BF5;
	p2 =	por !p2, p0  }
0x20: {  	[sflag:s8] =	ssyncset.s32 @!p0 $0xFFFFF086;
	s6 =	sadd.s32 @!p0 s3, s7;
	s7 =	simm.s32 @!p0 $0x108  }
0x21: {  	s3 =	sadd.s32 s3, s9;
	s6 =	sadd.s32 @!p0 $0x88, s6;
	s7 =	simm.s32 @p2 $0x1082  }
0x22: {  	[simem:s7], [sflag:s8] =	dma.local @!p0 [hbm:s6], $0xF7A  }
0x23: {  	s9 =	sor.u32 $0xD0000000, s2;
	s6 =	simm.s32 $0x108;
	_ =	swait.ge @!p0 [sflag:s8], $0x0  }
0x24: {  	s3 =	sadd.s32 $0x88, s3;
	s6 =	simm.s32 @!p1 $0x1082;
	[sflag:s4] =	ssyncset.s32 $0xFFFFF086  }
0x25: {  	[simem:s6], [sflag:s4] =	dma.local [hbm:s3], $0xF7A  }
0x26: {  	[smem:$0x3F99] =	sst s1;
	(tag) =	ssettag s2;
	_ =	strace s9  }
0x27: {  	s1 =	sld [smem:$0x3FA9]  }
0x28: {  	s2 =	sld [smem:$0x3FAA]  }
0x29: {  	s4 =	sld [smem:$0x3FAC]  }
0x2a: {  	p0 =	seq.s32 s5, $0x0;
	s5 =	sld [smem:$0x3FAD]  }
0x2b: {  	s6 =	sld [smem:$0x3FAE]  }
0x2c: {  	s7 =	sld [smem:$0x3FAF]  }
0x2d: {  	s3 =	simm.s32 $0x108;
	s8 =	sld [smem:$0x3FB0]  }
0x2e: {  	s3 =	simm.s32 @!p0 $0x1082;
	s9 =	sld [smem:$0x3FB1]  }
0x2f: {  	lr =	sadd.s32 s0, s3;
	s0 =	sld [smem:$0x3FA8]  }
0x30: {  	s3 =	sld [smem:$0x3FAB]  }
0x31: {  	[smem:$0x3FB4] =	sst s10  }
0x32: {  	s10 =	sld [smem:$0x3FB2];
	_ =	sdelay $0x3  }
0x33: {  	p0 =	seq.s32 s10, $0x1;
	s10 =	sld [smem:$0x3FB4];
	_ =	sdelay $0x3  }
0x34: {  	[smem:$0x3FB4] =	sst s10  }
0x35: {  	s10 =	sld [smem:$0x3FB3];
	_ =	sdelay $0x3  }
0x36: {  	p1 =	seq.s32 s10, $0x1;
	s10 =	sld [smem:$0x3FB4];
	_ =	sdelay $0x3  }
0x37: {  	[smem:$0x3FB4] =	sst s10  }
0x38: {  	s10 =	sld [smem:$0x3FB5]  }
0x39: {  	_ = 	snop;
	(pc) =	sbr.ind lr, $3  }
0x3a: {  	_ = 	snop  }
0x3b: {  	_ = 	snop  }
0x3c: {  	p2 =	seq.s32 s10, $0x1;
	s10 =	sld [smem:$0x3FB4]  }
0x3d: {  	_ =	shalt  }
0x3e: {  	_ =	shalt  }
0x3f: {  	_ =	shalt  }
0x40: {  	_ =	shalt  }
0x41: {  	_ =	shalt  }
0x42: {  	_ =	shalt  }
0x43: {  	_ =	shalt  }
0x44: {  	_ =	shalt  }
0x45: {  	_ =	shalt  }
0x46: {  	_ =	shalt  }
0x47: {  	_ =	shalt  }
0x48: {  	_ =	shalt  }
0x49: {  	_ =	shalt  }
0x4a: {  	_ =	shalt  }
0x4b: {  	_ =	shalt  }
0x4c: {  	_ =	shalt  }
0x4d: {  	_ =	shalt  }
0x4e: {  	_ =	shalt  }
0x4f: {  	_ =	shalt  }
0x50: {  	_ =	shalt  }
0x51: {  	_ =	shalt  }
0x52: {  	_ =	shalt  }
0x53: {  	_ =	shalt  }
0x54: {  	_ =	shalt  }
0x55: {  	_ =	shalt  }
0x56: {  	_ =	shalt  }
0x57: {  	_ =	shalt  }
0x58: {  	_ =	shalt  }
0x59: {  	_ =	shalt  }
0x5a: {  	_ =	shalt  }
0x5b: {  	_ =	shalt  }
0x5c: {  	_ =	shalt  }
0x5d: {  	_ =	shalt  }
0x5e: {  	_ =	shalt  }
0x5f: {  	_ =	shalt  }
0x60: {  	_ =	shalt  }
0x61: {  	_ =	shalt  }
0x62: {  	_ =	shalt  }
0x63: {  	_ =	shalt  }
0x64: {  	_ =	shalt  }
0x65: {  	_ =	shalt  }
0x66: {  	_ =	shalt  }
0x67: {  	_ =	shalt  }
0x68: {  	_ =	shalt  }
0x69: {  	_ =	shalt  }
0x6a: {  	_ =	shalt  }
0x6b: {  	_ =	shalt  }
0x6c: {  	_ =	shalt  }
0x6d: {  	_ =	shalt  }
0x6e: {  	_ =	shalt  }
0x6f: {  	_ =	shalt  }
0x70: {  	_ =	shalt  }
0x71: {  	_ =	shalt  }
0x72: {  	_ =	shalt  }
0x73: {  	_ =	shalt  }
0x74: {  	_ =	shalt  }
0x75: {  	_ =	shalt  }
0x76: {  	_ =	shalt  }
0x77: {  	_ =	shalt  }
0x78: {  	_ =	shalt  }
0x79: {  	_ =	shalt  }
0x7a: {  	_ =	shalt  }
0x7b: {  	_ =	shalt  }
0x7c: {  	_ =	shalt  }
0x7d: {  	_ =	shalt  }
0x7e: {  	_ =	shalt  }
0x7f: {  	_ =	shalt  }
0x80: {  	_ =	shalt  }
0x81: {  	_ =	shalt  }
0x82: {  	_ =	shalt  }
0x83: {  	_ =	shalt  }
0x84: {  	_ =	shalt  }
0x85: {  	_ =	shalt  }
0x86: {  	_ =	shalt  }
0x87: {  	_ =	shalt  }
.Lfunc_end0:
.L_simem_size_0:
called_computation.1_lowered:
.L_overlay_start_0:
0x88: {  	s2 =	sld [smem:$0x3FD9]  }
0x89: {  	s3 =	sld [smem:$0x3FFE];
	_ =	sdelay $0x1  }
0x8a: {  	s1 =	srdreg.scid  }
0x8b: {  	s0 =	sand.u32 $0x1, s1  }
0x8c: {  	s17 =	sshll.u32 s0, $0xA;
	s2 =	sadd.s32 s3, s2  }
0x8d: {  	s2 =	sadd.s32 s2, s17  }
0x8e: {  	[smem:$0x3FC0] =	sst s2  }
0x8f: {  	_ = 	snop  }
0x90: {  	s2 =	sld [smem:$0x3FD0];
	(tm) =	ssettm $0x1  }
0x91: {  	s18 =	sld [smem:$0x3FFB];
	_ =	sdelay $0x3  }
0x92: {  	_ =	strace s18  }
0x93: {  	s3 =	sld [smem:$0x3FFC];
	_ =	sdelay $0x3  }
0x94: {  	_ =	strace s3  }
0x95: {  	s3 =	sld [smem:$0x3FFD];
	_ =	sdelay $0x3  }
0x96: {  	_ =	strace s3  }
0x97: {  	_ =	strace $0x8FFFFFFF  }
0x98: {  	s19 =	sld [smem:$0x3FDB];
	_ =	sdelay $0x1  }
0x99: {  	s4 =	simm.s32 $_scs_section_size  }
0x9a: {  	s5 =	simm.s32 $_size__tile_overlayer_lowered;
	s6 =	simm.s32 $_tile_overlayer_lowered  }
0x9b: {  	s22 =	simm.s32 $0x1BFF;
	s21 =	sshll.u32 s6, $0x1;
	s3 =	sadd.s32 s4, s19  }
0x9c: {  	s7 =	simm.s32 $0x0;
	s20 =	sshll.u32 s5, $0x1;
	s5 =	sadd.s32 s21, s3  }
0x9d: {  	[timem:s7], [sflag:s22] =	dma.local [hbm:s5], s20  }
0x9e: {  	_ =	swait.ge [sflag:s22], s20  }
0x9f: {  	s4 =	ssub.s32 $0x0, s20;
	[sflag:s22] =	ssyncset.done $0x0  }
0xa0: {  	[sflag:s22] =	ssyncadd.s32 s4;
	_ =	sdelay $0x1  }
0xa1: {  	s23 =	simm.s32 $0x1B8B  }
0xa2: {  	_ =	swait.ge [sflag:s23], $0x1  }
0xa3: {  	[sflag:s23] =	ssyncset.done $0x0  }
0xa4: {  	s25 =	simm.s32 $0x1B8E;
	s24 =	sld [smem:$0x3FFE];
	[sflag:s23] =	ssyncadd.s32 $0xFFFFFFFF  }
0xa5: {  	s26 =	simm.s32 $execute0_lowered;
	[smem:$0x3FD2] =	sst s25  }
0xa6: {  	s5 =	sshll.u32 s26, $0x1;
	_ =	strace $0x80000049;
	[dreg:$0x1] =	wrdreg $0xFFFFFFFF  }
0xa7: {  	s28 =	simm.s32 $_size_execute0_lowered;
	s3 =	sadd.s32 s3, s5;
	[dreg:$0x0] =	wrdreg $0x0  }
0xa8: {  	s5 =	sshll.u32 s28, $0x1;
	[dreg:$0x2] =	wrdreg s3  }
0xa9: {  	[dreg:$0x3] =	wrdreg s5  }
0xaa: {  	[dreg:$0x4] =	wrdreg $0xC0  }
0xab: {  	_ =	task [dreg:s7], $0x5FFFF  }
0xac: {  	[dreg:$0x1] =	wrdreg $0xFFFFFFFF  }
0xad: {  	[dreg:$0x0] =	wrdreg $0x60  }
0xae: {  	[dreg:$0x2] =	wrdreg s24  }
0xaf: {  	[dreg:$0x3] =	wrdreg s2  }
0xb0: {  	[dreg:$0x4] =	wrdreg $0x104000  }
0xb1: {  	[dreg:$0x5] =	wrdreg $0x9  }
0xb2: {  	_ =	task.clear_ibuf [dreg:s7], $0x6FFFF;
	_ =	strace $0x90000049  }
0xb3: {  	s29 =	simm.s32 $0x9;
	_ =	strace $0x8000004B  }
0xb4: {  	_ =	swait.ge [sflag:s29], $0x1  }
0xb5: {  	[sflag:s29] =	ssyncadd.s32 $0xFFFFFFFF  }
0xb6: {  	_ =	strace $0x9000004B  }
0xb7: {  	_ =	sfence  }
0xb8: {  	s30 =	sld [smem:$0x0];
	_ =	sdelay $0x2  }
0xb9: {  	s31 =	sshll.u32 s1, $0xD;
	s1 =	sshrl.u32 s1, $0x2  }
0xba: {  	s3 =	sand.u32 $0x4000, s31;
	s1 =	sadd.s32 s1, s30  }
0xbb: {  	s0 =	sor.u32 s3, s0;
	s1 =	sshll.u32 s1, $0x11  }
0xbc: {  	s0 =	sor.u32 s1, s0  }
0xbd: {  	s0 =	sadd.s32 $0x8F2B, s0  }
0xbe: {  	[sflag:s0] =	ssyncadd.remote.s32 $0x1  }
0xbf: {  	_ =	sfence.sel $0xFFFF  }
0xc0: {  	[dreg:$0x0] =	wrdreg $0xFFFFFFFF;
	(pc) =	sbr.abs _section_cstart, $3  }
0xc1: {  	[dreg:$0x1] =	wrdreg $0xFFFFFFFF  }
0xc2: {  	_ =	task.clear_ibuf [dreg:s7], $0x2FFFF;
	_ =	strace $0x9FFFFFFF  }
0xc3: {  	(tm) =	ssettm $0x7FFFFFFF  }
tec
execute0_lowered:
.L_overlay_start_1:
0x0: {  	(tag) =	ssettag $0x1  }
0x1: {  	s25 =	rddreg [dreg:$0x0];
	s1 =	srdreg.scid  }
0x2: {  	s6 =	rddreg [dreg:$0x1];
	s0 =	stileid.u32;
	s26 =	sand.u32 $0x1, s1  }
0x3: {  	s2 =	rddreg [dreg:$0x2];
	s5 =	sshll.u32 s0, $0xA;
	s4 =	sshll.u32 s26, $0xE  }
0x4: {  	s3 =	simm.s32 $0x0;
	s1 =	rddreg [dreg:$0x3];
	s5 =	sor.u32 s5, s4  }
0x5: {  	[smem:$0x7FF] =	sst s3;
	s4 =	sshll.u32 s5, $0x4  }
0x6: {  	s28 =	sshll.u32 s0, $0xC;
	_ =	strace $0x8000004A;
	s20 =	sadd.s32 s4, s25  }
0x7: {  	s7 =	sshrl.u32 s5, $0x3;
	s5 =	simm.s32 $0x400;
	s4 =	sadd.s32 $0x93000, s20  }
0x8: {  	[tilespmem:s5], [sflag:$0x1] =	stream.linear.gather [hbm4b:s4+s3], $0x8000, $0x38;
	[tilespmem:$0x18400] =	vst v63  }
0x9: {  	s8 =	sshll.u32 s0, $0xF;
	s6 =	sadd.s32 s6, s7;
	s7 =	simm.s32 $0x2  }
0xa: {  	[tilespmem:s3], [sflag:$0x2] =	stream.linear.gather [hbm4b:s6+s3], $0x400, $0x38;
	[tilespmem:$0x18400] =	vst v63  }
0xb: {  	s30 =	sshll.u32 s0, $0x6;
	s9 =	sadd.s32 s28, s25;
	_ =	swait.ge [sflag:s7], $0x400  }
0xc: {  	s10 =	sadd.s32 s8, s2;
	s8 =	sadd.s32 $0x2000, s9;
	[sflag:s7] =	ssyncset.done $0x0  }
0xd: {  	s9 =	sor.u32 $0x1C02, s30;
	s10 =	sshrl.u32 s10, $0x3;
	[sflag:s7] =	ssyncadd.s32 $0xFFFFFC00  }
0xe: {  	[spmem:s10], [sflag:s9] =	dma.local [hbm:s8], $0x1000  }
0xf: {  	_ =	swait.ge [sflag:s7], $0x1000  }
0x10: {  	[sflag:s7] =	ssyncset.done $0x0  }
0x11: {  	[sflag:s7] =	ssyncadd.s32 $0xFFFFF000  }
0x12: {  	s11 =	simm.s32 $0x1;
	[bflag:$0x0] =	sbarrier.arrive $0xFFFF  }
0x13: {  	_ =	swait.ge [sflag:s11], $0x8000  }
0x14: {  	[sflag:s11] =	ssyncset.done $0x0  }
0x15: {  	s13 =	simm.s32 $0x8400;
	s12 =	sadd.s32 $0x94000, s20;
	[sflag:s11] =	ssyncadd.s32 $0xFFFF8000  }
0x16: {  	[tilespmem:s13], [sflag:$0x1] =	stream.linear.gather [hbm4b:s12+s3], $0x8000, $0x38;
	[tilespmem:$0x18400] =	vst v63  }
0x17: {  	s14 =	simm.s32 $0x80  }
0x18: {  	[spmem:s2] =	stream.indirect.scatter.add.f32 [tilespmem:s5], [sflag:$0x2], $0x80, s3, s14, $0xb8;
	[tilespmem:$0x18400] =	vst v63  }
0x19: {  	_ =	swait.ge [sflag:s7], $0x4000  }
0x1a: {  	[sflag:s7] =	ssyncset.done $0x0  }
0x1b: {  	s15 =	simm.s32 $0x4400;
	[sflag:s7] =	ssyncadd.s32 $0xFFFFC000  }
0x1c: {  	[spmem:s2] =	stream.indirect.scatter.add.f32 [tilespmem:s15], [sflag:$0x2], $0x80, s14, s14, $0xb8;
	[tilespmem:$0x18400] =	vst v63  }
0x1d: {  	_ =	swait.ge [sflag:s7], $0x4000  }
0x1e: {  	[sflag:s7] =	ssyncset.done $0x0  }
0x1f: {  	[sflag:s7] =	ssyncadd.s32 $0xFFFFC000  }
0x20: {  	_ =	swait.ge [sflag:s11], $0x8000  }
0x21: {  	[sflag:s11] =	ssyncset.done $0x0  }
0x22: {  	s16 =	sadd.s32 $0x95000, s20;
	[sflag:s11] =	ssyncadd.s32 $0xFFFF8000  }
0x23: {  	[tilespmem:s5], [sflag:$0x1] =	stream.linear.gather [hbm4b:s16+s3], $0x8000, $0x38;
	[tilespmem:$0x18400] =	vst v63  }
0x24: {  	s17 =	simm.s32 $0x100  }
0x25: {  	[spmem:s2] =	stream.indirect.scatter.add.f32 [tilespmem:s13], [sflag:$0x2], $0x80, s17, s14, $0xb8;
	[tilespmem:$0x18400] =	vst v63  }
0x26: {  	_ =	swait.ge [sflag:s7], $0x4000  }
0x27: {  	[sflag:s7] =	ssyncset.done $0x0  }
0x28: {  	s18 =	simm.s32 $0x180;
	s19 =	simm.s32 $0xC400;
	[sflag:s7] =	ssyncadd.s32 $0xFFFFC000  }
0x29: {  	[spmem:s2] =	stream.indirect.scatter.add.f32 [tilespmem:s19], [sflag:$0x2], $0x80, s18, s14, $0xb8;
	[tilespmem:$0x18400] =	vst v63  }
0x2a: {  	_ =	swait.ge [sflag:s7], $0x4000  }
0x2b: {  	[sflag:s7] =	ssyncset.done $0x0  }
0x2c: {  	[sflag:s7] =	ssyncadd.s32 $0xFFFFC000  }
0x2d: {  	_ =	swait.ge [sflag:s11], $0x8000  }
0x2e: {  	[sflag:s11] =	ssyncset.done $0x0  }
0x2f: {  	s20 =	sadd.s32 $0x96000, s20;
	[sflag:s11] =	ssyncadd.s32 $0xFFFF8000  }
0x30: {  	[tilespmem:s13], [sflag:$0x1] =	stream.linear.gather [hbm4b:s20+s3], $0x8000, $0x38;
	[tilespmem:$0x18400] =	vst v63  }
0x31: {  	s21 =	simm.s32 $0x200  }
0x32: {  	[spmem:s2] =	stream.indirect.scatter.add.f32 [tilespmem:s5], [sflag:$0x2], $0x80, s21, s14, $0xb8;
	[tilespmem:$0x18400] =	vst v63  }
0x33: {  	_ =	swait.ge [sflag:s7], $0x4000  }
0x34: {  	[sflag:s7] =	ssyncset.done $0x0  }
0x35: {  	s22 =	simm.s32 $0x280;
	[sflag:s7] =	ssyncadd.s32 $0xFFFFC000  }
0x36: {  	[spmem:s2] =	stream.indirect.scatter.add.f32 [tilespmem:s15], [sflag:$0x2], $0x80, s22, s14, $0xb8;
	[tilespmem:$0x18400] =	vst v63  }
0x37: {  	_ =	swait.ge [sflag:s7], $0x4000  }
0x38: {  	[sflag:s7] =	ssyncset.done $0x0  }
0x39: {  	[sflag:s7] =	ssyncadd.s32 $0xFFFFC000  }
0x3a: {  	_ =	swait.ge [sflag:s11], $0x8000  }
0x3b: {  	[sflag:s11] =	ssyncset.done $0x0  }
0x3c: {  	s23 =	simm.s32 $0x300;
	[sflag:s11] =	ssyncadd.s32 $0xFFFF8000  }
0x3d: {  	[spmem:s2] =	stream.indirect.scatter.add.f32 [tilespmem:s13], [sflag:$0x2], $0x80, s23, s14, $0xb8;
	[tilespmem:$0x18400] =	vst v63  }
0x3e: {  	s29 =	sshll.u32 s26, $0x10;
	s26 =	ssub.s32 $0x2, s26;
	_ =	swait.ge [sflag:s7], $0x4000  }
0x3f: {  	s31 =	sshrl.u32 s26, $0x1;
	[sflag:s7] =	ssyncset.done $0x0  }
0x40: {  	s24 =	simm.s32 $0x380;
	s26 =	ssub.s32 s26, s31;
	[sflag:s7] =	ssyncadd.s32 $0xFFFFC000  }
0x41: {  	[spmem:s2] =	stream.indirect.scatter.add.f32 [tilespmem:s19], [sflag:$0x2], $0x80, s24, s14, $0xb8;
	[tilespmem:$0x18400] =	vst v63  }
0x42: {  	s26 =	smax.u32 s26, $0x1;
	_ =	swait.ge [sflag:s7], $0x4000  }
0x43: {  	s25 =	sadd.s32 s29, s25;
	p0 =	sne.s32 s26, $0x1;
	[sflag:s7] =	ssyncset.done $0x0  }
.Ltmp0:
0x44: {  	s25 =	sadd.s32 $0x12000, s25;
	[sflag:s7] =	ssyncadd.s32 $0xFFFFC000;
	(pc) =	sbr.rel @!p0 .LBB2_2-.Ltmp0, $4  }
0x45: {  	s25 =	sadd.s32 s28, s25;
	[bflag:$0x0] =	sbarrier.arrive $0xFFFF  }
0x46: {  	[hbm:s25], [sflag:s9] =	dma.local [spmem:s10], $0x1000  }
0x47: {  	_ =	swait.ge [sflag:s7], $0x1000  }
0x48: {  	s26 =	sadd.s32 $0xFFFFFFFF, s26;
	[sflag:s7] =	ssyncset.done $0x0  }
.LBB2_1:
0x49: {  	p0 =	sne.s32 s26, $0x1;
	s26 =	sadd.s32 $0xFFFFFFFF, s26;
	[sflag:s7] =	ssyncadd.s32 $0xFFFFF000  }
0x4a: {  	[tilespmem:s5], [sflag:$0x1] =	stream.linear.gather [hbm4b:s4+s3], $0x8000, $0x38;
	[tilespmem:$0x18400] =	vst v63  }
0x4b: {  	_ = 	snop  }
0x4c: {  	[tilespmem:s3], [sflag:$0x2] =	stream.linear.gather [hbm4b:s6+s3], $0x400, $0x38;
	[tilespmem:$0x18400] =	vst v63  }
0x4d: {  	_ =	swait.ge [sflag:s7], $0x400  }
0x4e: {  	[sflag:s7] =	ssyncset.done $0x0  }
0x4f: {  	[sflag:s7] =	ssyncadd.s32 $0xFFFFFC00  }
0x50: {  	[spmem:s10], [sflag:s9] =	dma.local [hbm:s8], $0x1000  }
0x51: {  	_ =	swait.ge [sflag:s7], $0x1000  }
0x52: {  	[sflag:s7] =	ssyncset.done $0x0  }
0x53: {  	[sflag:s7] =	ssyncadd.s32 $0xFFFFF000  }
0x54: {  	[bflag:$0x0] =	sbarrier.arrive $0xFFFF  }
0x55: {  	_ =	swait.ge [sflag:s11], $0x8000  }
0x56: {  	[sflag:s11] =	ssyncset.done $0x0  }
0x57: {  	[sflag:s11] =	ssyncadd.s32 $0xFFFF8000  }
0x58: {  	[tilespmem:s13], [sflag:$0x1] =	stream.linear.gather [hbm4b:s12+s3], $0x8000, $0x38;
	[tilespmem:$0x18400] =	vst v63  }
0x59: {  	_ = 	snop  }
0x5a: {  	[spmem:s2] =	stream.indirect.scatter.add.f32 [tilespmem:s5], [sflag:$0x2], $0x80, s3, s14, $0xb8;
	[tilespmem:$0x18400] =	vst v63  }
0x5b: {  	_ =	swait.ge [sflag:s7], $0x4000  }
0x5c: {  	[sflag:s7] =	ssyncset.done $0x0  }
0x5d: {  	[sflag:s7] =	ssyncadd.s32 $0xFFFFC000  }
0x5e: {  	[spmem:s2] =	stream.indirect.scatter.add.f32 [tilespmem:s15], [sflag:$0x2], $0x80, s14, s14, $0xb8;
	[tilespmem:$0x18400] =	vst v63  }
0x5f: {  	_ =	swait.ge [sflag:s7], $0x4000  }
0x60: {  	[sflag:s7] =	ssyncset.done $0x0  }
0x61: {  	[sflag:s7] =	ssyncadd.s32 $0xFFFFC000  }
0x62: {  	_ =	swait.ge [sflag:s11], $0x8000  }
0x63: {  	[sflag:s11] =	ssyncset.done $0x0  }
0x64: {  	[sflag:s11] =	ssyncadd.s32 $0xFFFF8000  }
0x65: {  	[tilespmem:s5], [sflag:$0x1] =	stream.linear.gather [hbm4b:s16+s3], $0x8000, $0x38;
	[tilespmem:$0x18400] =	vst v63  }
0x66: {  	_ = 	snop  }
0x67: {  	[spmem:s2] =	stream.indirect.scatter.add.f32 [tilespmem:s13], [sflag:$0x2], $0x80, s17, s14, $0xb8;
	[tilespmem:$0x18400] =	vst v63  }
0x68: {  	_ =	swait.ge [sflag:s7], $0x4000  }
0x69: {  	[sflag:s7] =	ssyncset.done $0x0  }
0x6a: {  	[sflag:s7] =	ssyncadd.s32 $0xFFFFC000  }
0x6b: {  	[spmem:s2] =	stream.indirect.scatter.add.f32 [tilespmem:s19], [sflag:$0x2], $0x80, s18, s14, $0xb8;
	[tilespmem:$0x18400] =	vst v63  }
0x6c: {  	_ =	swait.ge [sflag:s7], $0x4000  }
0x6d: {  	[sflag:s7] =	ssyncset.done $0x0  }
0x6e: {  	[sflag:s7] =	ssyncadd.s32 $0xFFFFC000  }
0x6f: {  	_ =	swait.ge [sflag:s11], $0x8000  }
0x70: {  	[sflag:s11] =	ssyncset.done $0x0  }
0x71: {  	[sflag:s11] =	ssyncadd.s32 $0xFFFF8000  }
0x72: {  	[tilespmem:s13], [sflag:$0x1] =	stream.linear.gather [hbm4b:s20+s3], $0x8000, $0x38;
	[tilespmem:$0x18400] =	vst v63  }
0x73: {  	_ = 	snop  }
0x74: {  	[spmem:s2] =	stream.indirect.scatter.add.f32 [tilespmem:s5], [sflag:$0x2], $0x80, s21, s14, $0xb8;
	[tilespmem:$0x18400] =	vst v63  }
0x75: {  	_ =	swait.ge [sflag:s7], $0x4000  }
0x76: {  	[sflag:s7] =	ssyncset.done $0x0  }
0x77: {  	[sflag:s7] =	ssyncadd.s32 $0xFFFFC000  }
0x78: {  	[spmem:s2] =	stream.indirect.scatter.add.f32 [tilespmem:s15], [sflag:$0x2], $0x80, s22, s14, $0xb8;
	[tilespmem:$0x18400] =	vst v63  }
0x79: {  	_ =	swait.ge [sflag:s7], $0x4000  }
0x7a: {  	[sflag:s7] =	ssyncset.done $0x0  }
0x7b: {  	[sflag:s7] =	ssyncadd.s32 $0xFFFFC000  }
0x7c: {  	_ =	swait.ge [sflag:s11], $0x8000  }
0x7d: {  	[sflag:s11] =	ssyncset.done $0x0  }
0x7e: {  	[sflag:s11] =	ssyncadd.s32 $0xFFFF8000  }
0x7f: {  	[spmem:s2] =	stream.indirect.scatter.add.f32 [tilespmem:s13], [sflag:$0x2], $0x80, s23, s14, $0xb8;
	[tilespmem:$0x18400] =	vst v63  }
0x80: {  	_ =	swait.ge [sflag:s7], $0x4000  }
0x81: {  	[sflag:s7] =	ssyncset.done $0x0  }
0x82: {  	[sflag:s7] =	ssyncadd.s32 $0xFFFFC000  }
0x83: {  	[spmem:s2] =	stream.indirect.scatter.add.f32 [tilespmem:s19], [sflag:$0x2], $0x80, s24, s14, $0xb8;
	[tilespmem:$0x18400] =	vst v63  }
0x84: {  	_ =	swait.ge [sflag:s7], $0x4000  }
0x85: {  	[sflag:s7] =	ssyncset.done $0x0  }
.Ltmp1:
0x86: {  	[sflag:s7] =	ssyncadd.s32 $0xFFFFC000;
	(pc) =	sbr.rel @p0 .LBB2_1-.Ltmp1, $4  }
0x87: {  	[bflag:$0x0] =	sbarrier.arrive $0xFFFF  }
0x88: {  	[hbm:s25], [sflag:s9] =	dma.local [spmem:s10], $0x1000  }
0x89: {  	_ =	swait.ge [sflag:s7], $0x1000  }
0x8a: {  	[sflag:s7] =	ssyncset.done $0x0  }
.LBB2_2:
0x8b: {  	[sflag:s7] =	ssyncadd.s32 $0xFFFFF000  }
0x8c: {  	_ =	sfence.sel $0x180000  }
0x8d: {  	[bflag:$0x0] =	sbarrier.arrive $0xFFFF  }
0x8e: {  	p0 =	sne.s32 s0, $0x0;
	_ =	strace $0x9000004A  }
0x8f: {  	s0 =	sadd.s32 @!p0 $0x100000, s1;
	[bflag:$0x2] =	sbarrier.arrive $0xFFFF  }
0x90: {  	[sflag:s0] =	ssyncadd.tile.s32 @!p0 $0x1;
	_ =	shalt  }
.Lfunc_end2:
_tile_overlayer_lowered:
.L_overlay_start_2:
0x91: {  	(tag) =	ssettag $0x2  }
0x92: {  	s0 =	rddreg [dreg:$0x0];
	s2 =	stileid.u32  }
0x93: {  	s1 =	rddreg [dreg:$0x1];
	p0 =	sne.s32 s2, $0x0  }
0x94: {  	s3 =	rddreg [dreg:$0x2];
	[bflag:$0x3] =	sbarrier.arrive $0xFFFF;
	s2 =	simm.s32 @!p0 $0x1C02  }
0x95: {  	[timem:s3], [sflag:s2] =	dma.local @!p0 [hbm:s0], s1  }
0x96: {  	s0 =	simm.s32 @!p0 $0x2  }
0x97: {  	_ =	swait.ge @!p0 [sflag:s0], s1  }
0x98: {  	s1 =	ssub.s32 @!p0 $0x0, s1;
	[sflag:s0] =	ssyncset.done @!p0 $0x0  }
0x99: {  	[sflag:s0] =	ssyncadd.s32 @!p0 s1  }
0x9a: {  	[bflag:$0x3] =	sbarrier.arrive $0xFFFF  }
0x9b: {  	_ =	shalt  }

</sc_bundles>
